<compile_context>
chip_gen: v7x
topology: tpu7x:2x2x1
jax: 0.10.2.dev20260603
libtpu: 0.0.44.dev20260713+nightly
codegen_flags: <defaults>
</compile_context>

<pallas_src>
import jax
import jax.numpy as jnp
from jax import lax
from jax.experimental import pallas as pl
from jax.experimental.pallas import tpu as pltpu
from jax.experimental.pallas import tpu_sc as plsc

N = 16
P = 32768
S = 1024
NC = 2
NS = 16
L = 16
HALF = P // 2


def _fps_body(pts_ref, p0_ref, idx_out, spts_out,
              xv, yv, zv, dist, idxbuf, sptsbuf, rowi, prowi, p0v, shi):
    c = lax.axis_index("c")
    s = lax.axis_index("s")
    b = c * (NS // 2) + s // 2
    h = s % 2
    base = h * HALF

    iota = lax.iota(jnp.int32, L)
    lane0 = iota == 0
    lane3 = iota < 3
    colv = jnp.minimum(iota, 2)

    off = (b * 3) * P + base
    pltpu.sync_copy(pts_ref.at[pl.ds(off, HALF)], xv)
    pltpu.sync_copy(pts_ref.at[pl.ds(off + P, HALF)], yv)
    pltpu.sync_copy(pts_ref.at[pl.ds(off + 2 * P, HALF)], zv)

    inf_vec = jnp.full((L,), jnp.inf, jnp.float32)

    @plsc.parallel_loop(0, HALF, L)
    def _(i):
        dist[pl.ds(i, L)] = inf_vec

    def combine(m, jl, tout, slot):
        jsplat = jnp.full((L,), jl, jnp.int32)
        cxv = plsc.load_gather(xv, [jsplat])
        cyv = plsc.load_gather(yv, [jsplat])
        czv = plsc.load_gather(zv, [jsplat])
        jgv = jnp.full((L,), jl + base, jnp.int32)
        m_iv = plsc.bitcast(jnp.full((L,), m, jnp.float32), jnp.int32)
        cx_iv = plsc.bitcast(cxv, jnp.int32)
        cy_iv = plsc.bitcast(cyv, jnp.int32)
        cz_iv = plsc.bitcast(czv, jnp.int32)
        row = jnp.where(iota == 0, m_iv,
              jnp.where(iota == 1, cx_iv,
              jnp.where(iota == 2, cy_iv,
              jnp.where(iota == 3, cz_iv, jgv))))
        rowi[...] = row
        sbase = slot * (NS * L)
        pltpu.sync_copy(rowi, shi.at[pl.ds(sbase + s * L, L)])
        plsc.subcore_barrier()
        pltpu.sync_copy(shi.at[pl.ds(sbase + (s ^ 1) * L, L)], prowi)
        pv = prowi[...]
        pm_iv = jnp.full((L,), pv[0], jnp.int32)
        pjv = jnp.full((L,), pv[4], jnp.int32)
        pcxv = plsc.bitcast(jnp.full((L,), pv[1], jnp.int32), jnp.float32)
        pcyv = plsc.bitcast(jnp.full((L,), pv[2], jnp.int32), jnp.float32)
        pczv = plsc.bitcast(jnp.full((L,), pv[3], jnp.int32), jnp.float32)
        takev = (pm_iv > m_iv) | ((pm_iv == m_iv) & (pjv < jgv))
        wjv = jnp.where(takev, pjv, jgv)
        wcxv = jnp.where(takev, pcxv, cxv)
        wcyv = jnp.where(takev, pcyv, cyv)
        wczv = jnp.where(takev, pczv, czv)
        toutv = jnp.full((L,), tout, jnp.int32)
        plsc.store_scatter(idxbuf, [toutv], wjv, mask=lane0)
        vals = jnp.where(iota == 0, wcxv, jnp.where(iota == 1, wcyv, wczv))
        plsc.store_scatter(sptsbuf, [toutv * 3 + colv], vals, mask=lane3)
        return wcxv, wcyv, wczv

    pltpu.sync_copy(p0_ref.at[pl.ds(b * L, L)], p0v)
    v0 = p0v[...]
    cx0 = jnp.full((L,), v0[0], jnp.float32)
    cy0 = jnp.full((L,), v0[1], jnp.float32)
    cz0 = jnp.full((L,), v0[2], jnp.float32)
    zero = jnp.zeros((L,), jnp.int32)
    plsc.store_scatter(idxbuf, [zero], zero, mask=lane0)
    vals0 = jnp.where(iota == 0, cx0, jnp.where(iota == 1, cy0, cz0))
    plsc.store_scatter(sptsbuf, [colv], vals0, mask=lane3)
    carry0 = (cx0, cy0, cz0)

    def step(t, carry):
        cxv, cyv, czv = carry
        bv0 = jnp.full((L,), -jnp.inf, jnp.float32)
        bj0 = jnp.zeros((L,), jnp.int32)

        def pass_body(i, cr):
            bv, bj = cr
            xs = xv[pl.ds(i, L)]
            ys = yv[pl.ds(i, L)]
            zs = zv[pl.ds(i, L)]
            dv = dist[pl.ds(i, L)]
            dx = xs - cxv
            dy = ys - cyv
            dz = zs - czv
            d = (dx * dx + dz * dz) + dy * dy
            nd = jnp.minimum(dv, d)
            dist[pl.ds(i, L)] = nd
            upd = nd > bv
            bv = jnp.where(upd, nd, bv)
            bj = jnp.where(upd, iota + i, bj)
            return bv, bj

        bv, bj = plsc.parallel_loop(0, HALF, L, unroll=8,
                                    carry=(bv0, bj0))(pass_body)
        m = jnp.max(bv)
        jl = jnp.min(jnp.where(bv == m, bj, jnp.int32(2**30)))
        return combine(m, jl, t + 1, t % 2)

    lax.fori_loop(0, S - 1, step, carry0)

    @pl.when(h == 0)
    def _():
        pltpu.sync_copy(idxbuf, idx_out.at[pl.ds(b * S, S)])
        pltpu.sync_copy(sptsbuf, spts_out.at[pl.ds(b * (3 * S), 3 * S)])


_mesh = plsc.VectorSubcoreMesh(core_axis_name="c", subcore_axis_name="s",
                               num_cores=NC, num_subcores=NS)

_fps = pl.kernel(
    _fps_body,
    out_type=(jax.ShapeDtypeStruct((N * S,), jnp.int32),
              jax.ShapeDtypeStruct((N * S * 3,), jnp.float32)),
    mesh=_mesh,
    compiler_params=pltpu.CompilerParams(needs_layout_passes=False),
    scratch_types=[
        pltpu.VMEM((HALF,), jnp.float32),
        pltpu.VMEM((HALF,), jnp.float32),
        pltpu.VMEM((HALF,), jnp.float32),
        pltpu.VMEM((HALF,), jnp.float32),
        pltpu.VMEM((S,), jnp.int32),
        pltpu.VMEM((3 * S,), jnp.float32),
        pltpu.VMEM((L,), jnp.int32),
        pltpu.VMEM((L,), jnp.int32),
        pltpu.VMEM((L,), jnp.float32),
        pltpu.VMEM_SHARED((2 * NS * L,), jnp.int32),
    ],
)


def kernel(points, nsamples, return_gathered):
    pts_t = jnp.transpose(points, (0, 2, 1))
    p0s = jnp.zeros((N, L), jnp.float32).at[:, :3].set(points[:, 0, :])
    idx, spts = _fps(pts_t.reshape(-1), p0s.reshape(-1))
    idx = idx.reshape(N, S)
    spts = spts.reshape(N, S, 3)
    spts = jnp.where(jnp.asarray(return_gathered) != 0, spts,
                     jnp.zeros_like(spts))
    return (idx, spts)

# --- scband reference (transcript-rebuilt; emitter-appended) ---
"""Pipeline reference for scband-fpsfunction-38001870635077 (READ-ONLY COPY).

The authoritative reference and input builder live on the scoring server;
editing this copy changes nothing except your own understanding.
"""

import jax, jax.numpy as jnp
import numpy as np


def furthest_point_sampling(points, nsamples):
    # points: (N, P, 3) -> indices (N, nsamples) int32
    N, P, _ = points.shape
    length = 1024

    def per_batch(pts):
        def body(carry, _):
            dist, farthest = carry
            centroid = pts[farthest]
            d = jnp.sum((pts - centroid) ** 2, axis=-1)
            dist = jnp.minimum(dist, d)
            nxt = jnp.argmax(dist).astype(jnp.int32)
            return (dist, nxt), farthest

        init = (jnp.full((P,), jnp.inf, dtype=pts.dtype), jnp.int32(0))
        _, idxs = jax.lax.scan(body, init, None, length=length)
        return idxs

    idxs = jax.vmap(per_batch)(points)
    valid = jnp.arange(length) < nsamples
    return jnp.where(valid[None, :], idxs, idxs)


def gather_points(points, idx):
    # points: (N, P, 3), idx: (N, S) -> (N, S, 3)
    return jnp.take_along_axis(points, idx[:, :, None].astype(jnp.int32), axis=1)


def setup_inputs(seed: int = 0) -> dict:
    key = jax.random.key(seed)
    points = jax.random.normal(key, (16, 32768, 3), dtype=jnp.float32)
    return {"points": points, "nsamples": 1024, "return_gathered": 1}


def reference(points, nsamples, return_gathered):
    indices = furthest_point_sampling(points, nsamples)
    sampled_points = gather_points(points, indices)
    sampled_points = jnp.where(return_gathered != 0, sampled_points, jnp.zeros_like(sampled_points))
    return (indices, sampled_points)

if __name__ == "__main__":
    import jax
    _d = setup_inputs()
    print(jax.jit(kernel)(*tuple(_d.values())))

</pallas_src>

<mosaic_0001>
#map = affine_map<(d0, d1) -> (0)>
module attributes {stable_mosaic.version = 14 : i64} {
  func.func @_fps_body(%arg0: i32, %arg1: i32, %arg2: memref<1572864xf32, #tpu.memory_space<hbm>>, %arg3: memref<256xf32, #tpu.memory_space<hbm>>, %arg4: memref<16384xi32, #tpu.memory_space<hbm>>, %arg5: memref<49152xf32, #tpu.memory_space<hbm>>, %arg6: memref<16384xf32, #tpu.memory_space<vmem>>, %arg7: memref<16384xf32, #tpu.memory_space<vmem>>, %arg8: memref<16384xf32, #tpu.memory_space<vmem>>, %arg9: memref<16384xf32, #tpu.memory_space<vmem>>, %arg10: memref<1024xi32, #tpu.memory_space<vmem>>, %arg11: memref<3072xf32, #tpu.memory_space<vmem>>, %arg12: memref<16xi32, #tpu.memory_space<vmem>>, %arg13: memref<16xi32, #tpu.memory_space<vmem>>, %arg14: memref<16xf32, #tpu.memory_space<vmem>>, %arg15: memref<512xi32, #tpu.memory_space<vmem_shared>>) attributes {dimension_semantics = [#tpu.dimension_semantics<core_parallel>, #tpu.dimension_semantics<subcore_parallel>], iteration_bounds = array<i64: 2, 16>, scalar_prefetch = 0 : i64, scratch_operands = 10 : i64, tpu.core_type = #tpu.core_type<sc_vector_subcore>, window_params = [{transform_indices = #map}, {transform_indices = #map}, {transform_indices = #map}, {transform_indices = #map}]} {
    %mul3A = arith.constant 8 : i32
    %mul3A_0 = arith.muli %arg0, %mul3A : i32
    %jit3A = arith.constant 2 : i32
    %div3A = arith.divsi %arg1, %jit3A : i32
    %sign3A = arith.constant 0 : i32
    %sign3A_1 = arith.cmpi sgt, %arg1, %sign3A : i32
    %sign3A_2 = arith.extui %sign3A_1 : i1 to i32
    %sign3A_3 = arith.constant 0 : i32
    %sign3A_4 = arith.cmpi slt, %arg1, %sign3A_3 : i32
    %sign3A_5 = arith.extui %sign3A_4 : i1 to i32
    %sign3A_6 = arith.subi %sign3A_2, %sign3A_5 : i32
    %sign3A_7 = arith.constant 0 : i32
    %sign3A_8 = arith.cmpi sgt, %jit3A, %sign3A_7 : i32
    %sign3A_9 = arith.extui %sign3A_8 : i1 to i32
    %sign3A_10 = arith.constant 0 : i32
    %sign3A_11 = arith.cmpi slt, %jit3A, %sign3A_10 : i32
    %sign3A_12 = arith.extui %sign3A_11 : i1 to i32
    %sign3A_13 = arith.subi %sign3A_9, %sign3A_12 : i32
    %ne3A = arith.cmpi ne, %sign3A_6, %sign3A_13 : i32
    %rem3A = arith.remsi %arg1, %jit3A : i32
    %ne3A_14 = arith.constant 0 : i32
    %ne3A_15 = arith.cmpi ne, %rem3A, %ne3A_14 : i32
    %and3A = arith.andi %ne3A, %ne3A_15 : i1
    %sub3A = arith.constant 1 : i32
    %sub3A_16 = arith.subi %div3A, %sub3A : i32
    %select_n3A = arith.select %and3A, %sub3A_16, %div3A : i32
    %add3A = arith.addi %mul3A_0, %select_n3A : i32
    %jit3A_17 = arith.constant 2 : i32
    %eq3A = arith.constant 0 : i32
    %eq3A_18 = arith.cmpi eq, %jit3A_17, %eq3A : i32
    %jit3A_19 = arith.constant 1 : i32
    %select_n3A_20 = arith.select %eq3A_18, %jit3A_19, %jit3A_17 : i32
    %rem3A_21 = arith.remsi %arg1, %select_n3A_20 : i32
    %ne3A_22 = arith.constant 0 : i32
    %ne3A_23 = arith.cmpi ne, %rem3A_21, %ne3A_22 : i32
    %lt3A = arith.constant 0 : i32
    %lt3A_24 = arith.cmpi slt, %rem3A_21, %lt3A : i32
    %lt3A_25 = arith.constant 0 : i32
    %lt3A_26 = arith.cmpi slt, %select_n3A_20, %lt3A_25 : i32
    %ne3A_27 = arith.xori %lt3A_24, %lt3A_26 : i1
    %and3A_28 = arith.andi %ne3A_27, %ne3A_23 : i1
    %add3A_29 = arith.addi %rem3A_21, %select_n3A_20 : i32
    %select_n3A_30 = arith.select %and3A_28, %add3A_29, %rem3A_21 : i32
    %mul3A_31 = arith.constant 16384 : i32
    %mul3A_32 = arith.muli %select_n3A_30, %mul3A_31 : i32
    %iota3A = tpu.iota {dimensions = array<i32: 0>} : vector<16xi32>
    %eq3A_33 = arith.constant 0 : i32
    %eq3A_34 = vector.broadcast %eq3A_33 : i32 to vector<16xi32>
    %eq3A_35 = arith.cmpi eq, %iota3A, %eq3A_34 : vector<16xi32>
    %lt3A_36 = arith.constant 3 : i32
    %lt3A_37 = vector.broadcast %lt3A_36 : i32 to vector<16xi32>
    %lt3A_38 = arith.cmpi slt, %iota3A, %lt3A_37 : vector<16xi32>
    %min3A = arith.constant 2 : i32
    %min3A_39 = vector.broadcast %min3A : i32 to vector<16xi32>
    %min3A_40 = arith.minsi %iota3A, %min3A_39 : vector<16xi32>
    %mul3A_41 = arith.constant 3 : i32
    %mul3A_42 = arith.muli %add3A, %mul3A_41 : i32
    %mul3A_43 = arith.constant 32768 : i32
    %mul3A_44 = arith.muli %mul3A_42, %mul3A_43 : i32
    %add3A_45 = arith.addi %mul3A_44, %mul3A_32 : i32
    "tpu.region"() ({
      %run_scoped3A = tpu.sem_alloc : memref<!tpu.dma_semaphore, #tpu.memory_space<semaphore_mem>>
      %dma_start3A = tpu.memref_slice %arg2[%add3A_45] : memref<1572864xf32, #tpu.memory_space<hbm>> -> memref<16384xf32, #tpu.memory_space<hbm>>
      %dma_start3A_81 = tpu.memref_slice %arg2[%add3A_45] : memref<1572864xf32, #tpu.memory_space<hbm>> -> memref<16384xf32, #tpu.memory_space<hbm>>
      tpu.enqueue_dma source(%dma_start3A_81 : memref<16384xf32, #tpu.memory_space<hbm>>) target(%arg6 : memref<16384xf32, #tpu.memory_space<vmem>>) target_semaphore(%run_scoped3A : memref<!tpu.dma_semaphore, #tpu.memory_space<semaphore_mem>>)
      %dma_wait3A = tpu.memref_slice %arg2[%add3A_45] : memref<1572864xf32, #tpu.memory_space<hbm>> -> memref<16384xf32, #tpu.memory_space<hbm>>
      %dma_wait3A_82 = tpu.memref_slice %arg2[%add3A_45] : memref<1572864xf32, #tpu.memory_space<hbm>> -> memref<16384xf32, #tpu.memory_space<hbm>>
      tpu.wait_dma2 semaphore(%run_scoped3A : memref<!tpu.dma_semaphore, #tpu.memory_space<semaphore_mem>>) src(%dma_wait3A_82 : memref<16384xf32, #tpu.memory_space<hbm>>) dst(%arg6 : memref<16384xf32, #tpu.memory_space<vmem>>)
      tpu.yield
    }) : () -> ()
    %add3A_46 = arith.constant 32768 : i32
    %add3A_47 = arith.addi %add3A_45, %add3A_46 : i32
    "tpu.region"() ({
      %run_scoped3A = tpu.sem_alloc : memref<!tpu.dma_semaphore, #tpu.memory_space<semaphore_mem>>
      %dma_start3A = tpu.memref_slice %arg2[%add3A_47] : memref<1572864xf32, #tpu.memory_space<hbm>> -> memref<16384xf32, #tpu.memory_space<hbm>>
      %dma_start3A_81 = tpu.memref_slice %arg2[%add3A_47] : memref<1572864xf32, #tpu.memory_space<hbm>> -> memref<16384xf32, #tpu.memory_space<hbm>>
      tpu.enqueue_dma source(%dma_start3A_81 : memref<16384xf32, #tpu.memory_space<hbm>>) target(%arg7 : memref<16384xf32, #tpu.memory_space<vmem>>) target_semaphore(%run_scoped3A : memref<!tpu.dma_semaphore, #tpu.memory_space<semaphore_mem>>)
      %dma_wait3A = tpu.memref_slice %arg2[%add3A_47] : memref<1572864xf32, #tpu.memory_space<hbm>> -> memref<16384xf32, #tpu.memory_space<hbm>>
      %dma_wait3A_82 = tpu.memref_slice %arg2[%add3A_47] : memref<1572864xf32, #tpu.memory_space<hbm>> -> memref<16384xf32, #tpu.memory_space<hbm>>
      tpu.wait_dma2 semaphore(%run_scoped3A : memref<!tpu.dma_semaphore, #tpu.memory_space<semaphore_mem>>) src(%dma_wait3A_82 : memref<16384xf32, #tpu.memory_space<hbm>>) dst(%arg7 : memref<16384xf32, #tpu.memory_space<vmem>>)
      tpu.yield
    }) : () -> ()
    %add3A_48 = arith.constant 65536 : i32
    %add3A_49 = arith.addi %add3A_45, %add3A_48 : i32
    "tpu.region"() ({
      %run_scoped3A = tpu.sem_alloc : memref<!tpu.dma_semaphore, #tpu.memory_space<semaphore_mem>>
      %dma_start3A = tpu.memref_slice %arg2[%add3A_49] : memref<1572864xf32, #tpu.memory_space<hbm>> -> memref<16384xf32, #tpu.memory_space<hbm>>
      %dma_start3A_81 = tpu.memref_slice %arg2[%add3A_49] : memref<1572864xf32, #tpu.memory_space<hbm>> -> memref<16384xf32, #tpu.memory_space<hbm>>
      tpu.enqueue_dma source(%dma_start3A_81 : memref<16384xf32, #tpu.memory_space<hbm>>) target(%arg8 : memref<16384xf32, #tpu.memory_space<vmem>>) target_semaphore(%run_scoped3A : memref<!tpu.dma_semaphore, #tpu.memory_space<semaphore_mem>>)
      %dma_wait3A = tpu.memref_slice %arg2[%add3A_49] : memref<1572864xf32, #tpu.memory_space<hbm>> -> memref<16384xf32, #tpu.memory_space<hbm>>
      %dma_wait3A_82 = tpu.memref_slice %arg2[%add3A_49] : memref<1572864xf32, #tpu.memory_space<hbm>> -> memref<16384xf32, #tpu.memory_space<hbm>>
      tpu.wait_dma2 semaphore(%run_scoped3A : memref<!tpu.dma_semaphore, #tpu.memory_space<semaphore_mem>>) src(%dma_wait3A_82 : memref<16384xf32, #tpu.memory_space<hbm>>) dst(%arg8 : memref<16384xf32, #tpu.memory_space<vmem>>)
      tpu.yield
    }) : () -> ()
    %broadcast_in_dim3A = arith.constant 0x7F800000 : f32
    %broadcast_in_dim3A_50 = vector.broadcast %broadcast_in_dim3A : f32 to vector<16xf32>
    %parallel_loop3A = arith.constant 0 : i32
    %parallel_loop3A_51 = arith.constant 16384 : i32
    %parallel_loop3A_52 = arith.constant 16 : i32
    scf.for %parallel_loop3A_81 = %parallel_loop3A to %parallel_loop3A_51 step %parallel_loop3A_52  : i32 {
      %parallel_loop3A_82 = arith.index_cast %parallel_loop3A_81 : i32 to index
      %parallel_loop3A_83 = tpu.vector_load %arg9[%parallel_loop3A_82] {strides = array<i32>} : memref<16384xf32, #tpu.memory_space<vmem>>, vector<16xf32>,
      tpu.vector_store %arg9[%parallel_loop3A_82], %broadcast_in_dim3A_50 {strides = array<i32>} : memref<16384xf32, #tpu.memory_space<vmem>>, vector<16xf32>,
    } {sc.loop_unroll_factor = 1 : i64, sc.parallel_access}
    %mul3A_53 = arith.constant 16 : i32
    %mul3A_54 = arith.muli %add3A, %mul3A_53 : i32
    "tpu.region"() ({
      %run_scoped3A = tpu.sem_alloc : memref<!tpu.dma_semaphore, #tpu.memory_space<semaphore_mem>>
      %dma_start3A = tpu.memref_slice %arg3[%mul3A_54] : memref<256xf32, #tpu.memory_space<hbm>> -> memref<16xf32, #tpu.memory_space<hbm>>
      %dma_start3A_81 = tpu.memref_slice %arg3[%mul3A_54] : memref<256xf32, #tpu.memory_space<hbm>> -> memref<16xf32, #tpu.memory_space<hbm>>
      tpu.enqueue_dma source(%dma_start3A_81 : memref<16xf32, #tpu.memory_space<hbm>>) target(%arg14 : memref<16xf32, #tpu.memory_space<vmem>>) target_semaphore(%run_scoped3A : memref<!tpu.dma_semaphore, #tpu.memory_space<semaphore_mem>>)
      %dma_wait3A = tpu.memref_slice %arg3[%mul3A_54] : memref<256xf32, #tpu.memory_space<hbm>> -> memref<16xf32, #tpu.memory_space<hbm>>
      %dma_wait3A_82 = tpu.memref_slice %arg3[%mul3A_54] : memref<256xf32, #tpu.memory_space<hbm>> -> memref<16xf32, #tpu.memory_space<hbm>>
      tpu.wait_dma2 semaphore(%run_scoped3A : memref<!tpu.dma_semaphore, #tpu.memory_space<semaphore_mem>>) src(%dma_wait3A_82 : memref<16xf32, #tpu.memory_space<hbm>>) dst(%arg14 : memref<16xf32, #tpu.memory_space<vmem>>)
      tpu.yield
    }) : () -> ()
    %get3A = arith.constant 0 : index
    %get3A_55 = tpu.vector_load %arg14[%get3A] {strides = array<i32>} : memref<16xf32, #tpu.memory_space<vmem>>, vector<16xf32>,
    %slice3A = vector.extract_strided_slice %get3A_55 {offsets = [0], sizes = [1], strides = [1]} : vector<16xf32> to vector<1xf32>
    %squeeze3A = vector.extract %slice3A[0] : f32 from vector<1xf32>
    %broadcast_in_dim3A_56 = vector.broadcast %squeeze3A : f32 to vector<16xf32>
    %slice3A_57 = vector.extract_strided_slice %get3A_55 {offsets = [1], sizes = [1], strides = [1]} : vector<16xf32> to vector<1xf32>
    %squeeze3A_58 = vector.extract %slice3A_57[0] : f32 from vector<1xf32>
    %broadcast_in_dim3A_59 = vector.broadcast %squeeze3A_58 : f32 to vector<16xf32>
    %slice3A_60 = vector.extract_strided_slice %get3A_55 {offsets = [2], sizes = [1], strides = [1]} : vector<16xf32> to vector<1xf32>
    %squeeze3A_61 = vector.extract %slice3A_60[0] : f32 from vector<1xf32>
    %broadcast_in_dim3A_62 = vector.broadcast %squeeze3A_61 : f32 to vector<16xf32>
    %broadcast_in_dim3A_63 = arith.constant 0 : i32
    %broadcast_in_dim3A_64 = vector.broadcast %broadcast_in_dim3A_63 : i32 to vector<16xi32>
    tpu.vector_store_idx %arg10[%broadcast_in_dim3A_64], %broadcast_in_dim3A_64 masked %eq3A_35 : memref<1024xi32, #tpu.memory_space<vmem>>[vector<16xi32>], vector<16xi32>, vector<16xi1>
    %eq3A_65 = arith.constant 0 : i32
    %eq3A_66 = vector.broadcast %eq3A_65 : i32 to vector<16xi32>
    %eq3A_67 = arith.cmpi eq, %iota3A, %eq3A_66 : vector<16xi32>
    %eq3A_68 = arith.constant 1 : i32
    %eq3A_69 = vector.broadcast %eq3A_68 : i32 to vector<16xi32>
    %eq3A_70 = arith.cmpi eq, %iota3A, %eq3A_69 : vector<16xi32>
    %select_n3A_71 = arith.select %eq3A_70, %broadcast_in_dim3A_59, %broadcast_in_dim3A_62 : vector<16xi1>, vector<16xf32>
    %select_n3A_72 = arith.select %eq3A_67, %broadcast_in_dim3A_56, %select_n3A_71 : vector<16xi1>, vector<16xf32>
    tpu.vector_store_idx %arg11[%min3A_40], %select_n3A_72 masked %lt3A_38 : memref<3072xf32, #tpu.memory_space<vmem>>[vector<16xi32>], vector<16xf32>, vector<16xi1>
    %scan3A = arith.constant 0 : i32
    %scan3A_73 = arith.constant 1023 : i32
    %scan3A_74 = arith.addi %scan3A, %scan3A_73 : i32
    %scan3A_75 = arith.constant 1 : i32
    %scan3A_76:3 = scf.for %scan3A_81 = %scan3A to %scan3A_74 step %scan3A_75 iter_args(%scan3A_82 = %broadcast_in_dim3A_56, %scan3A_83 = %broadcast_in_dim3A_59, %scan3A_84 = %broadcast_in_dim3A_62) -> (vector<16xf32>, vector<16xf32>, vector<16xf32>)  : i32 {
      %broadcast_in_dim3A_85 = arith.constant 0xFF800000 : f32
      %broadcast_in_dim3A_86 = vector.broadcast %broadcast_in_dim3A_85 : f32 to vector<16xf32>
      %broadcast_in_dim3A_87 = arith.constant 0 : i32
      %broadcast_in_dim3A_88 = vector.broadcast %broadcast_in_dim3A_87 : i32 to vector<16xi32>
      %parallel_loop3A_89 = arith.constant 0 : i32
      %parallel_loop3A_90 = arith.constant 16384 : i32
      %parallel_loop3A_91 = arith.constant 16 : i32
      %parallel_loop3A_92:2 = scf.for %parallel_loop3A_201 = %parallel_loop3A_89 to %parallel_loop3A_90 step %parallel_loop3A_91 iter_args(%parallel_loop3A_202 = %broadcast_in_dim3A_86, %parallel_loop3A_203 = %broadcast_in_dim3A_88) -> (vector<16xf32>, vector<16xi32>)  : i32 {
        %parallel_loop3A_204 = arith.index_cast %parallel_loop3A_201 : i32 to index
        %parallel_loop3A_205 = tpu.vector_load %arg6[%parallel_loop3A_204] {strides = array<i32>} : memref<16384xf32, #tpu.memory_space<vmem>>, vector<16xf32>,
        %parallel_loop3A_206 = arith.index_cast %parallel_loop3A_201 : i32 to index
        %parallel_loop3A_207 = tpu.vector_load %arg7[%parallel_loop3A_206] {strides = array<i32>} : memref<16384xf32, #tpu.memory_space<vmem>>, vector<16xf32>,
        %parallel_loop3A_208 = arith.index_cast %parallel_loop3A_201 : i32 to index
        %parallel_loop3A_209 = tpu.vector_load %arg8[%parallel_loop3A_208] {strides = array<i32>} : memref<16384xf32, #tpu.memory_space<vmem>>, vector<16xf32>,
        %parallel_loop3A_210 = arith.index_cast %parallel_loop3A_201 : i32 to index
        %parallel_loop3A_211 = tpu.vector_load %arg9[%parallel_loop3A_210] {strides = array<i32>} : memref<16384xf32, #tpu.memory_space<vmem>>, vector<16xf32>,
        %parallel_loop3A_212 = arith.subf %parallel_loop3A_205, %scan3A_82 : vector<16xf32>
        %parallel_loop3A_213 = arith.subf %parallel_loop3A_207, %scan3A_83 : vector<16xf32>
        %parallel_loop3A_214 = arith.subf %parallel_loop3A_209, %scan3A_84 : vector<16xf32>
        %parallel_loop3A_215 = arith.mulf %parallel_loop3A_212, %parallel_loop3A_212 : vector<16xf32>
        %parallel_loop3A_216 = arith.mulf %parallel_loop3A_214, %parallel_loop3A_214 : vector<16xf32>
        %parallel_loop3A_217 = arith.addf %parallel_loop3A_215, %parallel_loop3A_216 : vector<16xf32>
        %parallel_loop3A_218 = arith.mulf %parallel_loop3A_213, %parallel_loop3A_213 : vector<16xf32>
        %parallel_loop3A_219 = arith.addf %parallel_loop3A_217, %parallel_loop3A_218 : vector<16xf32>
        %parallel_loop3A_220 = arith.minimumf %parallel_loop3A_211, %parallel_loop3A_219 : vector<16xf32>
        %parallel_loop3A_221 = arith.index_cast %parallel_loop3A_201 : i32 to index
        %parallel_loop3A_222 = tpu.vector_load %arg9[%parallel_loop3A_221] {strides = array<i32>} : memref<16384xf32, #tpu.memory_space<vmem>>, vector<16xf32>,
        tpu.vector_store %arg9[%parallel_loop3A_221], %parallel_loop3A_220 {strides = array<i32>} : memref<16384xf32, #tpu.memory_space<vmem>>, vector<16xf32>,
        %parallel_loop3A_223 = arith.cmpf ogt, %parallel_loop3A_220, %parallel_loop3A_202 : vector<16xf32>
        %parallel_loop3A_224 = arith.select %parallel_loop3A_223, %parallel_loop3A_220, %parallel_loop3A_202 : vector<16xi1>, vector<16xf32>
        %parallel_loop3A_225 = vector.broadcast %parallel_loop3A_201 : i32 to vector<16xi32>
        %parallel_loop3A_226 = arith.addi %iota3A, %parallel_loop3A_225 : vector<16xi32>
        %parallel_loop3A_227 = arith.select %parallel_loop3A_223, %parallel_loop3A_226, %parallel_loop3A_203 : vector<16xi1>, vector<16xi32>
        scf.yield %parallel_loop3A_224, %parallel_loop3A_227 : vector<16xf32>, vector<16xi32>
      } {sc.loop_unroll_factor = 8 : i64, sc.parallel_access}
      %reduce_max3A = arith.constant true
      %reduce_max3A_93 = vector.broadcast %reduce_max3A : i1 to vector<16xi1>
      %reduce_max3A_94 = tpu.scan <max>, %parallel_loop3A_92#0 masked %reduce_max3A_93 : vector<16xf32>, vector<16xi1> -> vector<16xf32>
      %reduce_max3A_95 = vector.extract %reduce_max3A_94[15] : f32 from vector<16xf32>
      %eq3A_96 = vector.broadcast %reduce_max3A_95 : f32 to vector<16xf32>
      %eq3A_97 = arith.cmpf oeq, %parallel_loop3A_92#0, %eq3A_96 : vector<16xf32>
      %jit3A_98 = arith.constant 1073741824 : i32
      %broadcast_in_dim3A_99 = vector.broadcast %jit3A_98 : i32 to vector<16xi32>
      %select_n3A_100 = arith.select %eq3A_97, %parallel_loop3A_92#1, %broadcast_in_dim3A_99 : vector<16xi1>, vector<16xi32>
      %reduce_min3A = arith.constant true
      %reduce_min3A_101 = vector.broadcast %reduce_min3A : i1 to vector<16xi1>
      %reduce_min3A_102 = arith.constant -2147483648 : i32
      %reduce_min3A_103 = vector.broadcast %reduce_min3A_102 : i32 to vector<16xi32>
      %reduce_min3A_104 = arith.xori %select_n3A_100, %reduce_min3A_103 : vector<16xi32>
      %reduce_min3A_105 = tpu.scan <min>, %reduce_min3A_104 masked %reduce_min3A_101 : vector<16xi32>, vector<16xi1> -> vector<16xi32>
      %reduce_min3A_106 = arith.xori %reduce_min3A_105, %reduce_min3A_103 : vector<16xi32>
      %reduce_min3A_107 = vector.extract %reduce_min3A_106[15] : i32 from vector<16xi32>
      %add3A_108 = arith.constant 1 : i32
      %add3A_109 = arith.addi %scan3A_81, %add3A_108 : i32
      %jit3A_110 = arith.constant 2 : i32
      %eq3A_111 = arith.constant 0 : i32
      %eq3A_112 = arith.cmpi eq, %jit3A_110, %eq3A_111 : i32
      %jit3A_113 = arith.constant 1 : i32
      %select_n3A_114 = arith.select %eq3A_112, %jit3A_113, %jit3A_110 : i32
      %rem3A_115 = arith.remsi %scan3A_81, %select_n3A_114 : i32
      %ne3A_116 = arith.constant 0 : i32
      %ne3A_117 = arith.cmpi ne, %rem3A_115, %ne3A_116 : i32
      %lt3A_118 = arith.constant 0 : i32
      %lt3A_119 = arith.cmpi slt, %rem3A_115, %lt3A_118 : i32
      %lt3A_120 = arith.constant 0 : i32
      %lt3A_121 = arith.cmpi slt, %select_n3A_114, %lt3A_120 : i32
      %ne3A_122 = arith.xori %lt3A_119, %lt3A_121 : i1
      %and3A_123 = arith.andi %ne3A_122, %ne3A_117 : i1
      %add3A_124 = arith.addi %rem3A_115, %select_n3A_114 : i32
      %select_n3A_125 = arith.select %and3A_123, %add3A_124, %rem3A_115 : i32
      %broadcast_in_dim3A_126 = vector.broadcast %reduce_min3A_107 : i32 to vector<16xi32>
      %gather3A = tpu.vector_load_idx %arg6[%broadcast_in_dim3A_126] : memref<16384xf32, #tpu.memory_space<vmem>>[vector<16xi32>], vector<16xf32>,
      %gather3A_127 = tpu.vector_load_idx %arg7[%broadcast_in_dim3A_126] : memref<16384xf32, #tpu.memory_space<vmem>>[vector<16xi32>], vector<16xf32>,
      %gather3A_128 = tpu.vector_load_idx %arg8[%broadcast_in_dim3A_126] : memref<16384xf32, #tpu.memory_space<vmem>>[vector<16xi32>], vector<16xf32>,
      %add3A_129 = arith.addi %reduce_min3A_107, %mul3A_32 : i32
      %broadcast_in_dim3A_130 = vector.broadcast %add3A_129 : i32 to vector<16xi32>
      %broadcast_in_dim3A_131 = vector.broadcast %reduce_max3A_95 : f32 to vector<16xf32>
      %bitcast3A = vector.bitcast %broadcast_in_dim3A_131 : vector<16xf32> to vector<16xi32>
      %bitcast3A_132 = vector.bitcast %gather3A : vector<16xf32> to vector<16xi32>
      %bitcast3A_133 = vector.bitcast %gather3A_127 : vector<16xf32> to vector<16xi32>
      %bitcast3A_134 = vector.bitcast %gather3A_128 : vector<16xf32> to vector<16xi32>
      %eq3A_135 = arith.constant 0 : i32
      %eq3A_136 = vector.broadcast %eq3A_135 : i32 to vector<16xi32>
      %eq3A_137 = arith.cmpi eq, %iota3A, %eq3A_136 : vector<16xi32>
      %eq3A_138 = arith.constant 1 : i32
      %eq3A_139 = vector.broadcast %eq3A_138 : i32 to vector<16xi32>
      %eq3A_140 = arith.cmpi eq, %iota3A, %eq3A_139 : vector<16xi32>
      %eq3A_141 = arith.constant 2 : i32
      %eq3A_142 = vector.broadcast %eq3A_141 : i32 to vector<16xi32>
      %eq3A_143 = arith.cmpi eq, %iota3A, %eq3A_142 : vector<16xi32>
      %eq3A_144 = arith.constant 3 : i32
      %eq3A_145 = vector.broadcast %eq3A_144 : i32 to vector<16xi32>
      %eq3A_146 = arith.cmpi eq, %iota3A, %eq3A_145 : vector<16xi32>
      %select_n3A_147 = arith.select %eq3A_146, %bitcast3A_134, %broadcast_in_dim3A_130 : vector<16xi1>, vector<16xi32>
      %select_n3A_148 = arith.select %eq3A_143, %bitcast3A_133, %select_n3A_147 : vector<16xi1>, vector<16xi32>
      %select_n3A_149 = arith.select %eq3A_140, %bitcast3A_132, %select_n3A_148 : vector<16xi1>, vector<16xi32>
      %select_n3A_150 = arith.select %eq3A_137, %bitcast3A, %select_n3A_149 : vector<16xi1>, vector<16xi32>
      %swap3A = arith.constant 0 : index
      %swap3A_151 = tpu.vector_load %arg12[%swap3A] {strides = array<i32>} : memref<16xi32, #tpu.memory_space<vmem>>, vector<16xi32>,
      tpu.vector_store %arg12[%swap3A], %select_n3A_150 {strides = array<i32>} : memref<16xi32, #tpu.memory_space<vmem>>, vector<16xi32>,
      %mul3A_152 = arith.constant 256 : i32
      %mul3A_153 = arith.muli %select_n3A_125, %mul3A_152 : i32
      %mul3A_154 = arith.constant 16 : i32
      %mul3A_155 = arith.muli %arg1, %mul3A_154 : i32
      %add3A_156 = arith.addi %mul3A_153, %mul3A_155 : i32
      "tpu.region"() ({
        %run_scoped3A = tpu.sem_alloc : memref<!tpu.dma_semaphore, #tpu.memory_space<semaphore_mem>>
        %dma_start3A = tpu.memref_slice %arg15[%add3A_156] : memref<512xi32, #tpu.memory_space<vmem_shared>> -> memref<16xi32, #tpu.memory_space<vmem_shared>>
        %dma_start3A_201 = tpu.memref_slice %arg15[%add3A_156] : memref<512xi32, #tpu.memory_space<vmem_shared>> -> memref<16xi32, #tpu.memory_space<vmem_shared>>
        tpu.enqueue_dma source(%arg12 : memref<16xi32, #tpu.memory_space<vmem>>) target(%dma_start3A_201 : memref<16xi32, #tpu.memory_space<vmem_shared>>) target_semaphore(%run_scoped3A : memref<!tpu.dma_semaphore, #tpu.memory_space<semaphore_mem>>)
        %dma_wait3A = tpu.memref_slice %arg15[%add3A_156] : memref<512xi32, #tpu.memory_space<vmem_shared>> -> memref<16xi32, #tpu.memory_space<vmem_shared>>
        %dma_wait3A_202 = tpu.memref_slice %arg15[%add3A_156] : memref<512xi32, #tpu.memory_space<vmem_shared>> -> memref<16xi32, #tpu.memory_space<vmem_shared>>
        tpu.wait_dma2 semaphore(%run_scoped3A : memref<!tpu.dma_semaphore, #tpu.memory_space<semaphore_mem>>) src(%arg12 : memref<16xi32, #tpu.memory_space<vmem>>) dst(%dma_wait3A_202 : memref<16xi32, #tpu.memory_space<vmem_shared>>)
        tpu.yield
      }) : () -> ()
      %barrier3A = arith.constant 0 : index
      tpu.barrier barrier_id(%barrier3A)
      %xor3A = arith.constant 1 : i32
      %xor3A_157 = arith.xori %arg1, %xor3A : i32
      %mul3A_158 = arith.constant 16 : i32
      %mul3A_159 = arith.muli %xor3A_157, %mul3A_158 : i32
      %add3A_160 = arith.addi %mul3A_153, %mul3A_159 : i32
      "tpu.region"() ({
        %run_scoped3A = tpu.sem_alloc : memref<!tpu.dma_semaphore, #tpu.memory_space<semaphore_mem>>
        %dma_start3A = tpu.memref_slice %arg15[%add3A_160] : memref<512xi32, #tpu.memory_space<vmem_shared>> -> memref<16xi32, #tpu.memory_space<vmem_shared>>
        %dma_start3A_201 = tpu.memref_slice %arg15[%add3A_160] : memref<512xi32, #tpu.memory_space<vmem_shared>> -> memref<16xi32, #tpu.memory_space<vmem_shared>>
        tpu.enqueue_dma source(%dma_start3A_201 : memref<16xi32, #tpu.memory_space<vmem_shared>>) target(%arg13 : memref<16xi32, #tpu.memory_space<vmem>>) target_semaphore(%run_scoped3A : memref<!tpu.dma_semaphore, #tpu.memory_space<semaphore_mem>>)
        %dma_wait3A = tpu.memref_slice %arg15[%add3A_160] : memref<512xi32, #tpu.memory_space<vmem_shared>> -> memref<16xi32, #tpu.memory_space<vmem_shared>>
        %dma_wait3A_202 = tpu.memref_slice %arg15[%add3A_160] : memref<512xi32, #tpu.memory_space<vmem_shared>> -> memref<16xi32, #tpu.memory_space<vmem_shared>>
        tpu.wait_dma2 semaphore(%run_scoped3A : memref<!tpu.dma_semaphore, #tpu.memory_space<semaphore_mem>>) src(%dma_wait3A_202 : memref<16xi32, #tpu.memory_space<vmem_shared>>) dst(%arg13 : memref<16xi32, #tpu.memory_space<vmem>>)
        tpu.yield
      }) : () -> ()
      %get3A_161 = arith.constant 0 : index
      %get3A_162 = tpu.vector_load %arg13[%get3A_161] {strides = array<i32>} : memref<16xi32, #tpu.memory_space<vmem>>, vector<16xi32>,
      %slice3A_163 = vector.extract_strided_slice %get3A_162 {offsets = [0], sizes = [1], strides = [1]} : vector<16xi32> to vector<1xi32>
      %squeeze3A_164 = vector.extract %slice3A_163[0] : i32 from vector<1xi32>
      %broadcast_in_dim3A_165 = vector.broadcast %squeeze3A_164 : i32 to vector<16xi32>
      %slice3A_166 = vector.extract_strided_slice %get3A_162 {offsets = [4], sizes = [1], strides = [1]} : vector<16xi32> to vector<1xi32>
      %squeeze3A_167 = vector.extract %slice3A_166[0] : i32 from vector<1xi32>
      %broadcast_in_dim3A_168 = vector.broadcast %squeeze3A_167 : i32 to vector<16xi32>
      %slice3A_169 = vector.extract_strided_slice %get3A_162 {offsets = [1], sizes = [1], strides = [1]} : vector<16xi32> to vector<1xi32>
      %squeeze3A_170 = vector.extract %slice3A_169[0] : i32 from vector<1xi32>
      %broadcast_in_dim3A_171 = vector.broadcast %squeeze3A_170 : i32 to vector<16xi32>
      %bitcast3A_172 = vector.bitcast %broadcast_in_dim3A_171 : vector<16xi32> to vector<16xf32>
      %slice3A_173 = vector.extract_strided_slice %get3A_162 {offsets = [2], sizes = [1], strides = [1]} : vector<16xi32> to vector<1xi32>
      %squeeze3A_174 = vector.extract %slice3A_173[0] : i32 from vector<1xi32>
      %broadcast_in_dim3A_175 = vector.broadcast %squeeze3A_174 : i32 to vector<16xi32>
      %bitcast3A_176 = vector.bitcast %broadcast_in_dim3A_175 : vector<16xi32> to vector<16xf32>
      %slice3A_177 = vector.extract_strided_slice %get3A_162 {offsets = [3], sizes = [1], strides = [1]} : vector<16xi32> to vector<1xi32>
      %squeeze3A_178 = vector.extract %slice3A_177[0] : i32 from vector<1xi32>
      %broadcast_in_dim3A_179 = vector.broadcast %squeeze3A_178 : i32 to vector<16xi32>
      %bitcast3A_180 = vector.bitcast %broadcast_in_dim3A_179 : vector<16xi32> to vector<16xf32>
      %gt3A = arith.cmpi sgt, %broadcast_in_dim3A_165, %bitcast3A : vector<16xi32>
      %eq3A_181 = arith.cmpi eq, %broadcast_in_dim3A_165, %bitcast3A : vector<16xi32>
      %lt3A_182 = arith.cmpi slt, %broadcast_in_dim3A_168, %broadcast_in_dim3A_130 : vector<16xi32>
      %and3A_183 = arith.andi %eq3A_181, %lt3A_182 : vector<16xi1>
      %or3A = arith.ori %gt3A, %and3A_183 : vector<16xi1>
      %select_n3A_184 = arith.select %or3A, %broadcast_in_dim3A_168, %broadcast_in_dim3A_130 : vector<16xi1>, vector<16xi32>
      %select_n3A_185 = arith.select %or3A, %bitcast3A_172, %gather3A : vector<16xi1>, vector<16xf32>
      %select_n3A_186 = arith.select %or3A, %bitcast3A_176, %gather3A_127 : vector<16xi1>, vector<16xf32>
      %select_n3A_187 = arith.select %or3A, %bitcast3A_180, %gather3A_128 : vector<16xi1>, vector<16xf32>
      %broadcast_in_dim3A_188 = vector.broadcast %add3A_109 : i32 to vector<16xi32>
      tpu.vector_store_idx %arg10[%broadcast_in_dim3A_188], %select_n3A_184 masked %eq3A_35 : memref<1024xi32, #tpu.memory_space<vmem>>[vector<16xi32>], vector<16xi32>, vector<16xi1>
      %eq3A_189 = arith.constant 0 : i32
      %eq3A_190 = vector.broadcast %eq3A_189 : i32 to vector<16xi32>
      %eq3A_191 = arith.cmpi eq, %iota3A, %eq3A_190 : vector<16xi32>
      %eq3A_192 = arith.constant 1 : i32
      %eq3A_193 = vector.broadcast %eq3A_192 : i32 to vector<16xi32>
      %eq3A_194 = arith.cmpi eq, %iota3A, %eq3A_193 : vector<16xi32>
      %select_n3A_195 = arith.select %eq3A_194, %select_n3A_186, %select_n3A_187 : vector<16xi1>, vector<16xf32>
      %select_n3A_196 = arith.select %eq3A_191, %select_n3A_185, %select_n3A_195 : vector<16xi1>, vector<16xf32>
      %mul3A_197 = arith.constant 3 : i32
      %mul3A_198 = vector.broadcast %mul3A_197 : i32 to vector<16xi32>
      %mul3A_199 = arith.muli %broadcast_in_dim3A_188, %mul3A_198 : vector<16xi32>
      %add3A_200 = arith.addi %mul3A_199, %min3A_40 : vector<16xi32>
      tpu.vector_store_idx %arg11[%add3A_200], %select_n3A_196 masked %lt3A_38 : memref<3072xf32, #tpu.memory_space<vmem>>[vector<16xi32>], vector<16xf32>, vector<16xi1>
      scf.yield %select_n3A_185, %select_n3A_186, %select_n3A_187 : vector<16xf32>, vector<16xf32>, vector<16xf32>
    }
    %scan3A_77 = arith.constant 1023 : i32
    %eq3A_78 = arith.constant 0 : i32
    %eq3A_79 = arith.cmpi eq, %select_n3A_30, %eq3A_78 : i32
    %convert_element_type3A = arith.extui %eq3A_79 : i1 to i32
    %cond3A = arith.constant 0 : i32
    %cond3A_80 = arith.cmpi ne, %convert_element_type3A, %cond3A : i32
    scf.if %cond3A_80 {
      %mul3A_81 = arith.constant 1024 : i32
      %mul3A_82 = arith.muli %add3A, %mul3A_81 : i32
      "tpu.region"() ({
        %run_scoped3A = tpu.sem_alloc : memref<!tpu.dma_semaphore, #tpu.memory_space<semaphore_mem>>
        %dma_start3A = tpu.memref_slice %arg4[%mul3A_82] : memref<16384xi32, #tpu.memory_space<hbm>> -> memref<1024xi32, #tpu.memory_space<hbm>>
        %dma_start3A_85 = tpu.memref_slice %arg4[%mul3A_82] : memref<16384xi32, #tpu.memory_space<hbm>> -> memref<1024xi32, #tpu.memory_space<hbm>>
        tpu.enqueue_dma source(%arg10 : memref<1024xi32, #tpu.memory_space<vmem>>) target(%dma_start3A_85 : memref<1024xi32, #tpu.memory_space<hbm>>) target_semaphore(%run_scoped3A : memref<!tpu.dma_semaphore, #tpu.memory_space<semaphore_mem>>)
        %dma_wait3A = tpu.memref_slice %arg4[%mul3A_82] : memref<16384xi32, #tpu.memory_space<hbm>> -> memref<1024xi32, #tpu.memory_space<hbm>>
        %dma_wait3A_86 = tpu.memref_slice %arg4[%mul3A_82] : memref<16384xi32, #tpu.memory_space<hbm>> -> memref<1024xi32, #tpu.memory_space<hbm>>
        tpu.wait_dma2 semaphore(%run_scoped3A : memref<!tpu.dma_semaphore, #tpu.memory_space<semaphore_mem>>) src(%arg10 : memref<1024xi32, #tpu.memory_space<vmem>>) dst(%dma_wait3A_86 : memref<1024xi32, #tpu.memory_space<hbm>>)
        tpu.yield
      }) : () -> ()
      %mul3A_83 = arith.constant 3072 : i32
      %mul3A_84 = arith.muli %add3A, %mul3A_83 : i32
      "tpu.region"() ({
        %run_scoped3A = tpu.sem_alloc : memref<!tpu.dma_semaphore, #tpu.memory_space<semaphore_mem>>
        %dma_start3A = tpu.memref_slice %arg5[%mul3A_84] : memref<49152xf32, #tpu.memory_space<hbm>> -> memref<3072xf32, #tpu.memory_space<hbm>>
        %dma_start3A_85 = tpu.memref_slice %arg5[%mul3A_84] : memref<49152xf32, #tpu.memory_space<hbm>> -> memref<3072xf32, #tpu.memory_space<hbm>>
        tpu.enqueue_dma source(%arg11 : memref<3072xf32, #tpu.memory_space<vmem>>) target(%dma_start3A_85 : memref<3072xf32, #tpu.memory_space<hbm>>) target_semaphore(%run_scoped3A : memref<!tpu.dma_semaphore, #tpu.memory_space<semaphore_mem>>)
        %dma_wait3A = tpu.memref_slice %arg5[%mul3A_84] : memref<49152xf32, #tpu.memory_space<hbm>> -> memref<3072xf32, #tpu.memory_space<hbm>>
        %dma_wait3A_86 = tpu.memref_slice %arg5[%mul3A_84] : memref<49152xf32, #tpu.memory_space<hbm>> -> memref<3072xf32, #tpu.memory_space<hbm>>
        tpu.wait_dma2 semaphore(%run_scoped3A : memref<!tpu.dma_semaphore, #tpu.memory_space<semaphore_mem>>) src(%arg11 : memref<3072xf32, #tpu.memory_space<vmem>>) dst(%dma_wait3A_86 : memref<3072xf32, #tpu.memory_space<hbm>>)
        tpu.yield
      }) : () -> ()
    } else {
    }
    return
  }
}

</mosaic_0001>

<sc_bundles>
// kernel: kernel.3.cloned.1.call-start
scs
__scs_entry_jumppad:
0x0: {  	(pc) =	sbr.rel $0x88, $3  }
0x1: {  	(tag) =	ssettag $0x0;
	lr =	simm.s32 $0x1  }
0x2: {  	[smem:$0x3F9F] =	sst lr;
	_ =	strace $0xD0000000  }
0x3: {  	_ = 	snop  }
0x4: {  	_ = 	snop  }
0x5: {  	_ = 	snop  }
0x6: {  	_ = 	snop  }
0x7: {  	_ = 	snop  }
__scs_overlays_trampoline_lowered:
0x8: {  	[smem:$0x3FAE] =	sst s0  }
0x9: {  	[smem:$0x3FAF] =	sst s1  }
0xa: {  	[smem:$0x3FB0] =	sst s2  }
0xb: {  	[smem:$0x3FB1] =	sst s3  }
0xc: {  	[smem:$0x3FB2] =	sst s4  }
0xd: {  	[smem:$0x3FB3] =	sst s5  }
0xe: {  	[smem:$0x3FB4] =	sst s6  }
0xf: {  	[smem:$0x3FB5] =	sst s7  }
0x10: {  	[smem:$0x3FB6] =	sst s8  }
0x11: {  	[smem:$0x3FB7] =	sst s9;
	s0 =	simm.s32 @!p0 $0x0  }
0x12: {  	s1 =	sld [smem:$0x3F9D];
	s0 =	simm.s32 @p0 $0x1  }
0x13: {  	[smem:$0x3FB8] =	sst s0;
	s0 =	simm.s32 @!p1 $0x0  }
0x14: {  	s2 =	sld [smem:$0x3F9C];
	s0 =	simm.s32 @p1 $0x1  }
0x15: {  	[smem:$0x3FB9] =	sst s0;
	s0 =	simm.s32 @!p2 $0x0  }
0x16: {  	s3 =	sld [smem:$0x3FDB];
	s0 =	simm.s32 @p2 $0x1  }
0x17: {  	s4 =	simm.s32 $0x1BF5;
	[smem:$0x3FBB] =	sst s0  }
0x18: {  	s0 =	sld [smem:$0x3F9E];
	_ =	swait.ge [sflag:s4], $0x0  }
0x19: {  	s7 =	sld [smem:$0x3F9F]  }
0x1a: {  	s8 =	sadd.s32 $0xFFFFE003, lr  }
0x1b: {  	s9 =	sadd.s32 $0xFFFFFEF7, lr;
	s5 =	simm.s32 $0xFFFFFFFF;
	p2 =	slt.u32 s8, $0xFFFFF086  }
0x1c: {  	p1 =	slt.u32 s9, $0xF7A;
	s5 =	simm.s32 @!p2 $0x0  }
0x1d: {  	s5 =	simm.s32 @p1 $0x1;
	p0 =	seq.s32 s7, s2  }
0x1e: {  	s7 =	smul.u32 @!p0 $0xF7A, s2;
	p2 =	seq.s32 @!p0 s5, $0x0  }
0x1f: {  	s9 =	smul.u32 $0xF7A, s1;
	s8 =	simm.s32 @!p0 $0x1BF5;
	p2 =	por !p2, p0  }
0x20: {  	[sflag:s8] =	ssyncset.s32 @!p0 $0xFFFFF086;
	s6 =	sadd.s32 @!p0 s3, s7;
	s7 =	simm.s32 @!p0 $0x108  }
0x21: {  	s3 =	sadd.s32 s3, s9;
	s6 =	sadd.s32 @!p0 $0x88, s6;
	s7 =	simm.s32 @p2 $0x1082  }
0x22: {  	[simem:s7], [sflag:s8] =	dma.local @!p0 [hbm:s6], $0xF7A  }
0x23: {  	s9 =	sor.u32 $0xD0000000, s2;
	s6 =	simm.s32 $0x108;
	_ =	swait.ge @!p0 [sflag:s8], $0x0  }
0x24: {  	s3 =	sadd.s32 $0x88, s3;
	s6 =	simm.s32 @!p1 $0x1082;
	[sflag:s4] =	ssyncset.s32 $0xFFFFF086  }
0x25: {  	[simem:s6], [sflag:s4] =	dma.local [hbm:s3], $0xF7A  }
0x26: {  	[smem:$0x3F9F] =	sst s1;
	(tag) =	ssettag s2;
	_ =	strace s9  }
0x27: {  	s1 =	sld [smem:$0x3FAF]  }
0x28: {  	s2 =	sld [smem:$0x3FB0]  }
0x29: {  	s4 =	sld [smem:$0x3FB2]  }
0x2a: {  	p0 =	seq.s32 s5, $0x0;
	s5 =	sld [smem:$0x3FB3]  }
0x2b: {  	s6 =	sld [smem:$0x3FB4]  }
0x2c: {  	s7 =	sld [smem:$0x3FB5]  }
0x2d: {  	s3 =	simm.s32 $0x108;
	s8 =	sld [smem:$0x3FB6]  }
0x2e: {  	s3 =	simm.s32 @!p0 $0x1082;
	s9 =	sld [smem:$0x3FB7]  }
0x2f: {  	lr =	sadd.s32 s0, s3;
	s0 =	sld [smem:$0x3FAE]  }
0x30: {  	s3 =	sld [smem:$0x3FB1]  }
0x31: {  	[smem:$0x3FBA] =	sst s10  }
0x32: {  	s10 =	sld [smem:$0x3FB8];
	_ =	sdelay $0x3  }
0x33: {  	p0 =	seq.s32 s10, $0x1;
	s10 =	sld [smem:$0x3FBA];
	_ =	sdelay $0x3  }
0x34: {  	[smem:$0x3FBA] =	sst s10  }
0x35: {  	s10 =	sld [smem:$0x3FB9];
	_ =	sdelay $0x3  }
0x36: {  	p1 =	seq.s32 s10, $0x1;
	s10 =	sld [smem:$0x3FBA];
	_ =	sdelay $0x3  }
0x37: {  	[smem:$0x3FBA] =	sst s10  }
0x38: {  	s10 =	sld [smem:$0x3FBB]  }
0x39: {  	_ = 	snop;
	(pc) =	sbr.ind lr, $3  }
0x3a: {  	_ = 	snop  }
0x3b: {  	_ = 	snop  }
0x3c: {  	p2 =	seq.s32 s10, $0x1;
	s10 =	sld [smem:$0x3FBA]  }
0x3d: {  	_ =	shalt  }
0x3e: {  	_ =	shalt  }
0x3f: {  	_ =	shalt  }
0x40: {  	_ =	shalt  }
0x41: {  	_ =	shalt  }
0x42: {  	_ =	shalt  }
0x43: {  	_ =	shalt  }
0x44: {  	_ =	shalt  }
0x45: {  	_ =	shalt  }
0x46: {  	_ =	shalt  }
0x47: {  	_ =	shalt  }
0x48: {  	_ =	shalt  }
0x49: {  	_ =	shalt  }
0x4a: {  	_ =	shalt  }
0x4b: {  	_ =	shalt  }
0x4c: {  	_ =	shalt  }
0x4d: {  	_ =	shalt  }
0x4e: {  	_ =	shalt  }
0x4f: {  	_ =	shalt  }
0x50: {  	_ =	shalt  }
0x51: {  	_ =	shalt  }
0x52: {  	_ =	shalt  }
0x53: {  	_ =	shalt  }
0x54: {  	_ =	shalt  }
0x55: {  	_ =	shalt  }
0x56: {  	_ =	shalt  }
0x57: {  	_ =	shalt  }
0x58: {  	_ =	shalt  }
0x59: {  	_ =	shalt  }
0x5a: {  	_ =	shalt  }
0x5b: {  	_ =	shalt  }
0x5c: {  	_ =	shalt  }
0x5d: {  	_ =	shalt  }
0x5e: {  	_ =	shalt  }
0x5f: {  	_ =	shalt  }
0x60: {  	_ =	shalt  }
0x61: {  	_ =	shalt  }
0x62: {  	_ =	shalt  }
0x63: {  	_ =	shalt  }
0x64: {  	_ =	shalt  }
0x65: {  	_ =	shalt  }
0x66: {  	_ =	shalt  }
0x67: {  	_ =	shalt  }
0x68: {  	_ =	shalt  }
0x69: {  	_ =	shalt  }
0x6a: {  	_ =	shalt  }
0x6b: {  	_ =	shalt  }
0x6c: {  	_ =	shalt  }
0x6d: {  	_ =	shalt  }
0x6e: {  	_ =	shalt  }
0x6f: {  	_ =	shalt  }
0x70: {  	_ =	shalt  }
0x71: {  	_ =	shalt  }
0x72: {  	_ =	shalt  }
0x73: {  	_ =	shalt  }
0x74: {  	_ =	shalt  }
0x75: {  	_ =	shalt  }
0x76: {  	_ =	shalt  }
0x77: {  	_ =	shalt  }
0x78: {  	_ =	shalt  }
0x79: {  	_ =	shalt  }
0x7a: {  	_ =	shalt  }
0x7b: {  	_ =	shalt  }
0x7c: {  	_ =	shalt  }
0x7d: {  	_ =	shalt  }
0x7e: {  	_ =	shalt  }
0x7f: {  	_ =	shalt  }
0x80: {  	_ =	shalt  }
0x81: {  	_ =	shalt  }
0x82: {  	_ =	shalt  }
0x83: {  	_ =	shalt  }
0x84: {  	_ =	shalt  }
0x85: {  	_ =	shalt  }
0x86: {  	_ =	shalt  }
0x87: {  	_ =	shalt  }
.Lfunc_end0:
.L_simem_size_0:
called_computation_lowered:
.L_overlay_start_0:
0x88: {  	s2 =	sld [smem:$0x3FD9]  }
0x89: {  	s3 =	sld [smem:$0x3FFE];
	_ =	sdelay $0x1  }
0x8a: {  	s1 =	srdreg.scid  }
0x8b: {  	s0 =	sand.u32 $0x1, s1  }
0x8c: {  	s14 =	sshll.u32 s0, $0xA;
	s2 =	sadd.s32 s3, s2  }
0x8d: {  	s2 =	sadd.s32 s2, s14  }
0x8e: {  	[smem:$0x3FC6] =	sst s2  }
0x8f: {  	_ = 	snop  }
0x90: {  	s2 =	sld [smem:$0x3FD0];
	_ =	sdelay $0x2  }
0x91: {  	s15 =	simm.s32 $0xA;
	s4 =	simm.s32 $0x10  }
0x92: {  	[smem:s4], [sflag:s15] =	dma.local [hbm:s2], $0x1  }
0x93: {  	_ =	swait.eq [sflag:s15], $0x1  }
0x94: {  	[sflag:s15] =	ssyncset.done $0x0  }
0x95: {  	s16 =	sld [smem:$0x10];
	[sflag:s15] =	ssyncadd.s32 $0xFFFFFFFF  }
0x96: {  	s17 =	sld [smem:$0x11];
	(tm) =	ssettm $0x1  }
0x97: {  	s18 =	sld [smem:$0x3FFB];
	_ =	sdelay $0x3  }
0x98: {  	_ =	strace s18  }
0x99: {  	s4 =	sld [smem:$0x3FFC];
	_ =	sdelay $0x3  }
0x9a: {  	_ =	strace s4  }
0x9b: {  	s4 =	sld [smem:$0x3FFD];
	_ =	sdelay $0x3  }
0x9c: {  	_ =	strace s4  }
0x9d: {  	_ =	strace $0x8FFFFFFF  }
0x9e: {  	s19 =	sld [smem:$0x3FDB];
	_ =	sdelay $0x1  }
0x9f: {  	s5 =	simm.s32 $_scs_section_size  }
0xa0: {  	s6 =	simm.s32 $_size__tile_overlayer_lowered;
	s7 =	simm.s32 $_tile_overlayer_lowered  }
0xa1: {  	s22 =	simm.s32 $0x1BFF;
	s21 =	sshll.u32 s7, $0x1;
	s4 =	sadd.s32 s5, s19  }
0xa2: {  	s8 =	simm.s32 $0x0;
	s20 =	sshll.u32 s6, $0x1;
	s6 =	sadd.s32 s21, s4  }
0xa3: {  	[timem:s8], [sflag:s22] =	dma.local [hbm:s6], s20  }
0xa4: {  	_ =	swait.ge [sflag:s22], s20  }
0xa5: {  	s5 =	ssub.s32 $0x0, s20;
	[sflag:s22] =	ssyncset.done $0x0  }
0xa6: {  	[sflag:s22] =	ssyncadd.s32 s5;
	_ =	sdelay $0x1  }
0xa7: {  	s23 =	simm.s32 $0x1B8B  }
0xa8: {  	_ =	swait.ge [sflag:s23], $0x1  }
0xa9: {  	[sflag:s23] =	ssyncset.done $0x0  }
0xaa: {  	s25 =	simm.s32 $0x1B8E;
	s24 =	sld [smem:$0x3FFE];
	[sflag:s23] =	ssyncadd.s32 $0xFFFFFFFF  }
0xab: {  	s26 =	simm.s32 $execute0_lowered;
	[smem:$0x3FD2] =	sst s25  }
0xac: {  	s6 =	sshll.u32 s26, $0x1;
	_ =	strace $0x80000046;
	[dreg:$0x1] =	wrdreg $0xFFFFFFFF  }
0xad: {  	s28 =	simm.s32 $_size_execute0_lowered;
	s4 =	sadd.s32 s4, s6;
	[dreg:$0x0] =	wrdreg $0x0  }
0xae: {  	s6 =	sshll.u32 s28, $0x1;
	[dreg:$0x2] =	wrdreg s4  }
0xaf: {  	[dreg:$0x3] =	wrdreg s6  }
0xb0: {  	[dreg:$0x4] =	wrdreg $0xC0  }
0xb1: {  	_ =	task [dreg:s8], $0x5FFFF  }
0xb2: {  	[dreg:$0x1] =	wrdreg $0xFFFFFFFF  }
0xb3: {  	[dreg:$0x0] =	wrdreg $0x60  }
0xb4: {  	[dreg:$0x2] =	wrdreg s24  }
0xb5: {  	[dreg:$0x3] =	wrdreg s16  }
0xb6: {  	[dreg:$0x4] =	wrdreg s17  }
0xb7: {  	[dreg:$0x5] =	wrdreg $0x111800  }
0xb8: {  	[dreg:$0x6] =	wrdreg $0x9  }
0xb9: {  	_ =	task.clear_ibuf [dreg:s8], $0x7FFFF;
	_ =	strace $0x90000046  }
0xba: {  	s29 =	simm.s32 $0x9;
	_ =	strace $0x80000048  }
0xbb: {  	_ =	swait.ge [sflag:s29], $0x1  }
0xbc: {  	[sflag:s29] =	ssyncadd.s32 $0xFFFFFFFF  }
0xbd: {  	_ =	strace $0x90000048  }
0xbe: {  	_ =	sfence  }
0xbf: {  	s30 =	sld [smem:$0x0];
	_ =	sdelay $0x2  }
0xc0: {  	s31 =	sshll.u32 s1, $0xD;
	s1 =	sshrl.u32 s1, $0x2  }
0xc1: {  	s3 =	sand.u32 $0x4000, s31;
	s1 =	sadd.s32 s1, s30  }
0xc2: {  	s0 =	sor.u32 s3, s0;
	s1 =	sshll.u32 s1, $0x11  }
0xc3: {  	s0 =	sor.u32 s1, s0  }
0xc4: {  	s0 =	sadd.s32 $0x8F2B, s0  }
0xc5: {  	[sflag:s0] =	ssyncadd.remote.s32 $0x1  }
0xc6: {  	_ =	sfence.sel $0xFFFF  }
0xc7: {  	[dreg:$0x0] =	wrdreg $0xFFFFFFFF;
	(pc) =	sbr.abs _section_cstart, $3  }
0xc8: {  	[dreg:$0x1] =	wrdreg $0xFFFFFFFF  }
0xc9: {  	_ =	task.clear_ibuf [dreg:s8], $0x2FFFF;
	_ =	strace $0x9FFFFFFF  }
0xca: {  	(tm) =	ssettm $0x7FFFFFFF  }
0xcb: {  	_ =	shalt  }
tec
execute0_lowered:
.L_overlay_start_1:
0x0: {  	(tag) =	ssettag $0x1  }
0x1: {  	s1 =	srdreg.scid;
	s6 =	rddreg [dreg:$0x0]  }
0x2: {  	s0 =	stileid.u32;
	s10 =	rddreg [dreg:$0x1]  }
0x3: {  	s11 =	rddreg [dreg:$0x2];
	s3 =	simm.s32 $0x0;
	s16 =	simm.s32 $0x11100  }
0x4: {  	s17 =	simm.s32 $0x10000;
	s18 =	simm.s32 $0x10400;
	s20 =	simm.s32 $0x11000  }
0x5: {  	s21 =	simm.s32 $0x11080;
	s5 =	sand.u32 $0x1, s1;
	s2 =	sshrl.u32 s0, $0x1  }
0x6: {  	s22 =	sand.u32 $0x1, s0;
	[smem:$0x7FF] =	sst s3;
	s19 =	sshll.u32 s0, $0x6  }
0x7: {  	s14 =	sshll.u32 s0, $0x4;
	s1 =	sshll.u32 s5, $0x3;
	s4 =	sshll.u32 s22, $0xE  }
0x8: {  	s8 =	ssub.s32 $0x2, s5;
	s19 =	sshrl.u32 s19, $0x2;
	p0 =	sne.s32 s22, $0x0  }
0x9: {  	s22 =	simm.s32 $0x0;
	s9 =	sor.u32 s2, s1;
	s2 =	rddreg [dreg:$0x3]  }
0xa: {  	_ =	strace $0x80000047;
	s12 =	sshrl.u32 s8, $0x1;
	s7 =	smul.u32 $0x18000, s9  }
0xb: {  	v0 =	vimm.f32 $+Inf;
	s30 =	sshll.u32 s9, $0x1;
	s12 =	ssub.s32 s8, s12;
	s31 =	smul.u32 $0x180, s9  }
0xc: {  	vm0 =	vcmask $0x300;
	v2 =	vimm.s32 $0x2;
	v3 =	vimm.s32 $0x2020100;
	s15 =	sshll.u32 s9, $0x7;
	s9 =	sxor.u32 $0x10, s14;
	s14 =	simm.s32 $0x4000  }
0xd: {  	v1 =	vimm.s32 $0x0;
	vm1 =	vcmask $0xF00;
	v5 =	vlaneseq.u32;
	s13 =	sadd.s32 s30, s6;
	s10 =	sadd.s32 s10, s15;
	s7 =	sor.u32 s4, s7  }
0xe: {  	vm2 =	vcmask $0x3F0C;
	vm3 =	vcmask $0x3F08;
	v4 =	vunpack.c.0.s8.s32 v3;
	s12 =	smax.u32 s12, $0x1;
	s15 =	simm.s32 $0x8000;
	s29 =	sshrl.u32 s7, $0x3  }
0xf: {  	vm4 =	vmmov $0x1;
	v2 =	vsel vm0, $0x0, v2;
	v3 =	vimm.s32 $0x1;
	s8 =	sadd.s32 $0x30000, s13;
	s11 =	sadd.s32 s11, s31;
	s5 =	sadd.s32 s6, s29  }
0x10: {  	vm0 =	vcmask $0x704;
	v4 =	vnsel vm1, $0x2, v4;
	vm1 =	vcmask $0x3F10;
	s13 =	simm.s32 $0x1;
	s6 =	sadd.s32 $0x1000, s5;
	s7 =	sadd.s32 $0x2000, s5  }
.LBB2_1:
0x11: {  	[tilespmem:s3], [sflag:$0x1] =	stream.linear.gather [hbm4b:s5+s3], $0x4000, $0x38;
	[tilespmem:$0x111A0] =	vst v63  }
0x12: {  	_ =	swait.ge [sflag:s13], $0x4000  }
0x13: {  	[sflag:s13] =	ssyncset.done $0x0  }
0x14: {  	[sflag:s13] =	ssyncadd.s32 $0xFFFFC000  }
0x15: {  	[tilespmem:s14], [sflag:$0x1] =	stream.linear.gather [hbm4b:s6+s3], $0x4000, $0x38;
	[tilespmem:$0x111A0] =	vst v63  }
0x16: {  	_ =	swait.ge [sflag:s13], $0x4000  }
0x17: {  	[sflag:s13] =	ssyncset.done $0x0  }
0x18: {  	[sflag:s13] =	ssyncadd.s32 $0xFFFFC000  }
0x19: {  	[tilespmem:s15], [sflag:$0x1] =	stream.linear.gather [hbm4b:s7+s3], $0x4000, $0x38;
	[tilespmem:$0x111A0] =	vst v63  }
0x1a: {  	_ =	swait.ge [sflag:s13], $0x4000  }
0x1b: {  	[sflag:s13] =	ssyncset.done $0x0  }
0x1c: {  	s23 =	simm.s32 $0xC000;
	[sflag:s13] =	ssyncadd.s32 $0xFFFFC000  }
0x1d: {  	s24 =	simm.s32 $0x0;
	[tilespmem:s23+$0x0] =	vst v0  }
.LBB2_2:
0x1e: {  	s24 =	sadd.s32 $0x10, s24  }
0x1f: {  	p1 =	slt.u32 s24, $0x3FF0  }
.Ltmp0:
0x20: {  	_ = 	snop;
	(pc) =	sbr.rel @p1 .LBB2_2-.Ltmp0, $3  }
0x21: {  	_ =	sdelay $0x1  }
0x22: {  	s23 =	sadd.s32 $0x10, s23  }
0x23: {  	[tilespmem:s23+$0x0] =	vst v0  }
0x24: {  	s23 =	simm.s32 $0x0  }
0x25: {  	[tilespmem:s16], [sflag:$0x1] =	stream.linear.gather [hbm4b:s8+s23], $0x10, $0x38;
	[tilespmem:$0x111A0] =	vst v63  }
0x26: {  	_ =	swait.ge [sflag:s13], $0x10  }
0x27: {  	[sflag:s13] =	ssyncset.done $0x0  }
0x28: {  	[sflag:s13] =	ssyncadd.s32 $0xFFFFFFF0  }
0x29: {  	v6 =	vld [tilespmem:$0x11100];
	_ =	sdelay $0x4  }
0x2a: {  	v7 =	vbroadcast v6, $0x1;
	_ =	sdelay $0x1  }
0x2b: {  	v8 =	vperm.xlane v6, v2;
	v9 =	vperm.xlane v7, v3;
	_ =	sdelay $0x1  }
0x2c: {  	[tilespmem:v1+s17+$0x0] =	vst.idx.msk $0x1, v1;
	v9 =	vsel vm0, v9, v8  }
0x2d: {  	s24 =	simm.s32 $0x0;
	v8 =	vbroadcast v6, $0x0;
	v6 =	vbroadcast v6, $0x2;
	[tilespmem:v4+s18+$0x0] =	vst.idx.msk $0x7, v9  }
.LBB2_4:
0x2e: {  	s25 =	simm.s32 $0x4040  }
0x2f: {  	v9 =	vld [tilespmem:s25+$0x30]  }
0x30: {  	s26 =	simm.s32 $0x40;
	v10 =	vld [tilespmem:s25+$0x20]  }
0x31: {  	s28 =	simm.s32 $0x8040;
	v11 =	vld [tilespmem:s26+$0x30]  }
0x32: {  	v12 =	vld [tilespmem:s28+$0x30]  }
0x33: {  	v13 =	vld [tilespmem:s25+$0x10]  }
0x34: {  	v14 =	vld [tilespmem:s26+$0x20]  }
0x35: {  	v15 =	vld [tilespmem:s28+$0x20]  }
0x36: {  	v16 =	vld [tilespmem:s25+$0x0]  }
0x37: {  	v17 =	vld [tilespmem:s26+$0x10]  }
0x38: {  	v18 =	vld [tilespmem:s28+$0x10]  }
0x39: {  	v19 =	vld [tilespmem:s25+$0xFFFFFFF0]  }
0x3a: {  	v20 =	vld [tilespmem:s26+$0x0]  }
0x3b: {  	v22 =	vimm.f32 $-Inf;
	v21 =	vld [tilespmem:s28+$0x0];
	v10 =	vsub.f32 v10, v7;
	v9 =	vsub.f32 v9, v7  }
0x3c: {  	v24 =	vimm.s32 $0x0;
	v25 =	vld [tilespmem:s26+$0xFFFFFFF0];
	v11 =	vsub.f32 v11, v8;
	v13 =	vsub.f32 v13, v7  }
0x3d: {  	v26 =	vor.u32 s23, v5;
	s29 =	simm.s32 $0x40;
	v28 =	vld [tilespmem:s26+$0xFFFFFFE0];
	v12 =	vsub.f32 v12, v6;
	v14 =	vsub.f32 v14, v8  }
0x3e: {  	s30 =	simm.s32 $0x30;
	v29 =	vor.u32 s29, v5;
	v30 =	vld [tilespmem:s25+$0xFFFFFFC0];
	v15 =	vsub.f32 v15, v6;
	v16 =	vsub.f32 v16, v7  }
0x3f: {  	s1 =	simm.s32 $0x20;
	v31 =	vor.u32 s30, v5;
	v32 =	vld [tilespmem:s26+$0xFFFFFFC0];
	v17 =	vsub.f32 v17, v8;
	v19 =	vsub.f32 v19, v7  }
0x40: {  	s29 =	simm.s32 $0x10;
	v33 =	vor.u32 s1, v5;
	v34 =	vld [tilespmem:s28+$0xFFFFFFC0];
	v18 =	vsub.f32 v18, v6;
	v20 =	vsub.f32 v20, v8  }
0x41: {  	v36 =	vld [tilespmem:s26+$0xFFFFFFD0];
	v35 =	vor.u32 s29, v5;
	v21 =	vsub.f32 v21, v6;
	v25 =	vsub.f32 v25, v8  }
0x42: {  	v37 =	vld [tilespmem:s28+$0xFFFFFFD0];
	v28 =	vsub.f32 v28, v8;
	v10 =	vmul.f32 v10, v10;
	v9 =	vmul.f32 v9, v9  }
0x43: {  	v38 =	vld [tilespmem:s28+$0xFFFFFFE0];
	v30 =	vsub.f32 v30, v7;
	v11 =	vmul.f32 v11, v11;
	v12 =	vmul.f32 v12, v12  }
0x44: {  	v39 =	vld [tilespmem:s28+$0xFFFFFFF0];
	v32 =	vsub.f32 v32, v8;
	v13 =	vmul.f32 v13, v13;
	v14 =	vmul.f32 v14, v14  }
0x45: {  	v23 =	vld [tilespmem:s25+$0xFFFFFFE0];
	v34 =	vsub.f32 v34, v6;
	v16 =	vmul.f32 v16, v16;
	v15 =	vmul.f32 v15, v15  }
0x46: {  	v27 =	vld [tilespmem:s25+$0xFFFFFFD0];
	v36 =	vsub.f32 v36, v8;
	v17 =	vmul.f32 v17, v17;
	v18 =	vmul.f32 v18, v18  }
0x47: {  	s25 =	simm.s32 $0xC040;
	v37 =	vsub.f32 v37, v6;
	v32 =	vmul.f32 v32, v32;
	v34 =	vmul.f32 v34, v34  }
0x48: {  	v40 =	vld [tilespmem:s25+$0xFFFFFFC0];
	v38 =	vsub.f32 v38, v6;
	v20 =	vmul.f32 v20, v20;
	v30 =	vmul.f32 v30, v30  }
0x49: {  	v50 =	vld [tilespmem:s25+$0x30];
	v39 =	vsub.f32 v39, v6;
	v48 =	vmul.f32 v36, v36;
	v49 =	vmul.f32 v37, v37  }
0x4a: {  	v41 =	vld [tilespmem:s25+$0xFFFFFFD0];
	v23 =	vsub.f32 v23, v7;
	v28 =	vmul.f32 v28, v28;
	v38 =	vmul.f32 v38, v38  }
0x4b: {  	v52 =	vld [tilespmem:s25+$0x20];
	v27 =	vsub.f32 v27, v7;
	v25 =	vmul.f32 v25, v25;
	v54 =	vmul.f32 v39, v39  }
0x4c: {  	v53 =	vld [tilespmem:s25+$0xFFFFFFE0];
	v21 =	vmul.f32 v21, v21;
	v32 =	vadd.f32 v34, v32;
	v51 =	vadd.f32 v49, v48  }
0x4d: {  	v55 =	vld [tilespmem:s25+$0x10];
	v19 =	vmul.f32 v19, v19;
	v28 =	vadd.f32 v38, v28;
	v25 =	vadd.f32 v54, v25  }
0x4e: {  	s30 =	simm.s32 $0xC0;
	v56 =	vld [tilespmem:s25+$0x0];
	v27 =	vmul.f32 v27, v27;
	v20 =	vadd.f32 v21, v20;
	v30 =	vadd.f32 v32, v30  }
0x4f: {  	v59 =	vld [tilespmem:s30+$0x10];
	v23 =	vmul.f32 v23, v23;
	v17 =	vadd.f32 v18, v17;
	v14 =	vadd.f32 v15, v14  }
0x50: {  	v62 =	vld [tilespmem:s30+$0x0];
	v11 =	vadd.f32 v12, v11;
	v27 =	vadd.f32 v51, v27;
	v30 =	vmin.f32 v40, v30  }
0x51: {  	s28 =	simm.s32 $0x80C0;
	v23 =	vadd.f32 v28, v23;
	v28 =	vld [tilespmem:s25+$0xFFFFFFF0];
	v19 =	vadd.f32 v25, v19;
	vm5 =	vgt.f32 v30, v22  }
0x52: {  	s29 =	simm.s32 $0x40C0;
	v63 =	vld [tilespmem:s28+$0x0];
	v16 =	vadd.f32 v20, v16;
	v27 =	vmin.f32 v41, v27;
	v22 =	vsel vm5, v30, v22  }
0x53: {  	v61 =	vld [tilespmem:s29+$0xFFFFFFF0];
	v13 =	vadd.f32 v17, v13;
	v24 =	vsel vm5, v26, v24;
	vm5 =	vgt.f32 v27, v22  }
0x54: {  	v21 =	vld [tilespmem:s29+$0x20];
	v10 =	vadd.f32 v14, v10;
	v25 =	vmin.f32 v53, v23;
	v22 =	vsel vm5, v27, v22  }
0x55: {  	v9 =	vadd.f32 v11, v9;
	v23 =	vsel vm5, v35, v24;
	v24 =	vld [tilespmem:s30+$0x30];
	vm5 =	vgt.f32 v25, v22  }
0x56: {  	v13 =	vmin.f32 v55, v13;
	v19 =	vmin.f32 v28, v19;
	v28 =	vld [tilespmem:s29+$0x10];
	v20 =	vsel vm5, v25, v22  }
0x57: {  	v34 =	vmin.f32 v52, v10;
	[tilespmem:s25+$0xFFFFFFC0] =	vst v30;
	v22 =	vsel vm5, v33, v23;
	vm5 =	vgt.f32 v19, v20  }
0x58: {  	v58 =	vld [tilespmem:s29+$0x0];
	[tilespmem:s25+$0xFFFFFFD0] =	vst v27;
	v30 =	vsub.f32 v62, v8;
	v27 =	vsub.f32 v59, v8;
	v17 =	vsel vm5, v19, v20  }
0x59: {  	v60 =	vld [tilespmem:s28+$0x10];
	v20 =	vmin.f32 v56, v16;
	v16 =	vsel vm5, v31, v22;
	v22 =	vsub.f32 v21, v7  }
0x5a: {  	v37 =	vmin.f32 v50, v9;
	v26 =	vld [tilespmem:s29+$0x30];
	[tilespmem:s25+$0xFFFFFFF0] =	vst v19;
	v19 =	vsub.f32 v63, v6;
	v23 =	vsub.f32 v24, v8  }
0x5b: {  	s0 =	simm.s32 $0x50;
	v15 =	vld [tilespmem:s30+$0x20];
	vm5 =	vgt.f32 v20, v17;
	v24 =	vsub.f32 v28, v7;
	v28 =	vsub.f32 v61, v7  }
0x5c: {  	s31 =	simm.s32 $0x70;
	v21 =	vld [tilespmem:s29+$0xFFFFFFE0];
	v12 =	vsel vm5, v20, v17;
	v14 =	vsel vm5, v29, v16;
	v16 =	vor.u32 s0, v5  }
0x5d: {  	v42 =	vld [tilespmem:s30+$0xFFFFFFF0];
	v17 =	vor.u32 s31, v5;
	v29 =	vsub.f32 v58, v7;
	vm5 =	vgt.f32 v13, v12  }
0x5e: {  	s1 =	simm.s32 $0x60;
	v18 =	vld [tilespmem:s28+$0x30];
	[tilespmem:s25+$0x0] =	vst v20;
	v20 =	vsub.f32 v60, v6;
	v11 =	vsel vm5, v13, v12;
	v10 =	vsel vm5, v16, v14  }
0x5f: {  	v57 =	vld [tilespmem:s28+$0x20];
	s0 =	simm.s32 $0x90;
	v12 =	vor.u32 s1, v5;
	v16 =	vsub.f32 v26, v7;
	vm5 =	vgt.f32 v34, v11  }
0x60: {  	v31 =	vld [tilespmem:s29+$0xFFFFFFD0];
	v26 =	vsub.f32 v15, v8;
	v15 =	vor.u32 s0, v5;
	v11 =	vsel vm5, v34, v11  }
0x61: {  	s26 =	simm.s32 $0x80;
	v32 =	vld [tilespmem:s30+$0xFFFFFFE0];
	[tilespmem:s25+$0xFFFFFFE0] =	vst v25;
	v25 =	vsub.f32 v21, v7;
	v9 =	vsel vm5, v12, v10;
	vm5 =	vgt.f32 v37, v11  }
0x62: {  	[tilespmem:s25+$0x10] =	vst v13;
	v33 =	vld [tilespmem:s29+$0xFFFFFFC0];
	s31 =	simm.s32 $0xC0;
	v21 =	vsub.f32 v42, v8;
	v12 =	vor.u32 s26, v5;
	v14 =	vsel vm5, v37, v11  }
0x63: {  	[tilespmem:s25+$0x20] =	vst v34;
	s1 =	simm.s32 $0xB0;
	v34 =	vld [tilespmem:s30+$0xFFFFFFC0];
	v10 =	vsel vm5, v17, v9;
	v17 =	vsub.f32 v18, v6;
	v9 =	vor.u32 s31, v5;
	s31 =	simm.s32 $0xA0  }
0x64: {  	[tilespmem:s25+$0x30] =	vst v37;
	v35 =	vld [tilespmem:s28+$0xFFFFFFC0];
	v18 =	vsub.f32 v57, v6;
	v11 =	vor.u32 s1, v5;
	v13 =	vor.u32 s31, v5;
	s31 =	simm.s32 $0x100  }
.LBB2_5:
0x65: {  	p1 =	slt.u32 s31, $0x3F80;
	v36 =	vld [tilespmem:s30+$0xFFFFFFD0];
	v31 =	vsub.f32 v31, v7;
	v22 =	vmul.f32 v22, v22;
	v16 =	vmul.f32 v16, v16  }
0x66: {  	v23 =	vmul.f32 v23, v23;
	v17 =	vmul.f32 v17, v17;
	v37 =	vld [tilespmem:s28+$0xFFFFFFD0];
	v32 =	vsub.f32 v32, v8  }
0x67: {  	v24 =	vmul.f32 v24, v24;
	v26 =	vmul.f32 v26, v26;
	v33 =	vsub.f32 v33, v7;
	v38 =	vld [tilespmem:s28+$0xFFFFFFE0]  }
0x68: {  	v29 =	vmul.f32 v29, v29;
	v18 =	vmul.f32 v18, v18;
	v34 =	vsub.f32 v34, v8  }
0x69: {  	v27 =	vmul.f32 v27, v27;
	v20 =	vmul.f32 v20, v20;
	v35 =	vsub.f32 v35, v6;
	v39 =	vld [tilespmem:s28+$0xFFFFFFF0]  }
0x6a: {  	v28 =	vmul.f32 v28, v28;
	v30 =	vmul.f32 v30, v30;
	v36 =	vsub.f32 v36, v8  }
0x6b: {  	s25 =	sadd.s32 $0x80, s25;
	v34 =	vmul.f32 v34, v34;
	v35 =	vmul.f32 v35, v35;
	v37 =	vsub.f32 v37, v6  }
0x6c: {  	v25 =	vmul.f32 v25, v25;
	v33 =	vmul.f32 v33, v33;
	v40 =	vld [tilespmem:s25+$0xFFFFFFC0];
	v38 =	vsub.f32 v38, v6  }
0x6d: {  	v34 =	vadd.f32 v35, v34;
	v35 =	vmul.f32 v36, v36;
	v36 =	vmul.f32 v37, v37;
	v37 =	vld [tilespmem:s25+$0x30]  }
0x6e: {  	v32 =	vmul.f32 v32, v32;
	v41 =	vld [tilespmem:s25+$0xFFFFFFD0];
	v38 =	vmul.f32 v38, v38;
	v39 =	vsub.f32 v39, v6  }
0x6f: {  	v31 =	vmul.f32 v31, v31;
	v33 =	vadd.f32 v34, v33;
	v34 =	vadd.f32 v36, v35;
	v35 =	vld [tilespmem:s25+$0x20]  }
0x70: {  	v21 =	vmul.f32 v21, v21;
	v36 =	vld [tilespmem:s25+$0xFFFFFFE0];
	v32 =	vadd.f32 v38, v32;
	v38 =	vmul.f32 v39, v39  }
0x71: {  	v19 =	vmul.f32 v19, v19;
	v33 =	vmin.f32 v40, v33;
	v31 =	vadd.f32 v34, v31;
	v34 =	vld [tilespmem:s25+$0x10]  }
0x72: {  	[tilespmem:s25+$0xFFFFFFC0] =	vst v33;
	vm5 =	vgt.f32 v33, v14;
	v25 =	vadd.f32 v32, v25;
	v32 =	vld [tilespmem:s25+$0xFFFFFFF0];
	v21 =	vadd.f32 v38, v21  }
0x73: {  	s29 =	sadd.s32 $0x80, s29;
	v14 =	vsel vm5, v33, v14;
	v10 =	vsel vm5, v12, v10;
	v12 =	vmin.f32 v41, v31;
	v31 =	vld [tilespmem:s25+$0x0]  }
0x74: {  	v19 =	vadd.f32 v19, v30;
	v33 =	vld [tilespmem:s29+$0x30];
	[tilespmem:s25+$0xFFFFFFD0] =	vst v12;
	vm5 =	vgt.f32 v12, v14;
	v21 =	vadd.f32 v21, v28  }
0x75: {  	s30 =	sadd.s32 $0x80, s30;
	v28 =	vld [tilespmem:s29+$0x20];
	v12 =	vsel vm5, v12, v14;
	v10 =	vsel vm5, v15, v10;
	v14 =	vmin.f32 v36, v25  }
0x76: {  	v20 =	vadd.f32 v20, v27;
	v19 =	vadd.f32 v19, v29;
	s28 =	sadd.s32 $0x80, s28;
	v15 =	vld [tilespmem:s30+$0x30];
	[tilespmem:s25+$0xFFFFFFE0] =	vst v14;
	vm5 =	vgt.f32 v14, v12  }
0x77: {  	v25 =	vld [tilespmem:s28+$0x30];
	v12 =	vsel vm5, v14, v12;
	v10 =	vsel vm5, v13, v10;
	v13 =	vmin.f32 v32, v21  }
0x78: {  	v18 =	vadd.f32 v18, v26;
	v14 =	vadd.f32 v20, v24;
	v21 =	vld [tilespmem:s29+$0x10];
	[tilespmem:s25+$0xFFFFFFF0] =	vst v13;
	vm5 =	vgt.f32 v13, v12  }
0x79: {  	v20 =	vld [tilespmem:s30+$0x20];
	v12 =	vsel vm5, v13, v12;
	v10 =	vsel vm5, v11, v10;
	v11 =	vmin.f32 v31, v19  }
0x7a: {  	v17 =	vadd.f32 v17, v23;
	v18 =	vadd.f32 v18, v22;
	v13 =	vld [tilespmem:s28+$0x20];
	[tilespmem:s25+$0x0] =	vst v11;
	vm5 =	vgt.f32 v11, v12  }
0x7b: {  	s1 =	sadd.s32 $0x50, s26;
	v19 =	vld [tilespmem:s29+$0x0];
	v11 =	vsel vm5, v11, v12;
	v9 =	vsel vm5, v9, v10;
	v10 =	vmin.f32 v34, v14  }
0x7c: {  	v12 =	vor.u32 s1, v5;
	v14 =	vadd.f32 v17, v16;
	v27 =	vld [tilespmem:s30+$0x10];
	[tilespmem:s25+$0x10] =	vst v10;
	vm5 =	vgt.f32 v10, v11  }
0x7d: {  	s0 =	sadd.s32 $0x70, s26;
	s1 =	sadd.s32 $0x60, s26;
	s26 =	smov.u32 s31;
	v30 =	vld [tilespmem:s28+$0x10];
	v10 =	vsel vm5, v10, v11;
	v9 =	vsel vm5, v12, v9;
	v11 =	vmin.f32 v35, v18  }
0x7e: {  	v17 =	vor.u32 s0, v5;
	v12 =	vor.u32 s1, v5;
	v34 =	vld [tilespmem:s29+$0xFFFFFFF0];
	[tilespmem:s25+$0x20] =	vst v11;
	vm5 =	vgt.f32 v11, v10  }
0x7f: {  	v35 =	vld [tilespmem:s30+$0x0];
	v10 =	vsel vm5, v11, v10;
	v9 =	vsel vm5, v12, v9;
	v11 =	vmin.f32 v37, v14  }
0x80: {  	v22 =	vsub.f32 v28, v7;
	v16 =	vsub.f32 v33, v7;
	v36 =	vld [tilespmem:s28+$0x0];
	[tilespmem:s25+$0x30] =	vst v11;
	vm5 =	vgt.f32 v11, v10  }
0x81: {  	v23 =	vsub.f32 v15, v8;
	v37 =	vld [tilespmem:s29+$0xFFFFFFE0];
	v14 =	vsel vm5, v11, v10;
	v10 =	vsel vm5, v17, v9  }
0x82: {  	v24 =	vsub.f32 v21, v7;
	v17 =	vsub.f32 v25, v6;
	v38 =	vld [tilespmem:s30+$0xFFFFFFF0]  }
.Ltmp1:
0x83: {  	s0 =	sadd.s32 $0x40, s31;
	v26 =	vsub.f32 v20, v8;
	v12 =	vor.u32 s31, v5;
	v18 =	vsub.f32 v13, v6;
	v31 =	vld [tilespmem:s29+$0xFFFFFFD0];
	(pc) =	sbr.rel @p1 .LBB2_5-.Ltmp1, $4  }
0x84: {  	s1 =	sadd.s32 $0x30, s31;
	v29 =	vsub.f32 v19, v7;
	v9 =	vor.u32 s0, v5;
	v27 =	vsub.f32 v27, v8;
	v32 =	vld [tilespmem:s30+$0xFFFFFFE0]  }
0x85: {  	s0 =	sadd.s32 $0x20, s31;
	v11 =	vor.u32 s1, v5;
	v20 =	vsub.f32 v30, v6;
	v28 =	vsub.f32 v34, v7;
	v33 =	vld [tilespmem:s29+$0xFFFFFFC0]  }
0x86: {  	s1 =	sadd.s32 $0x10, s31;
	v13 =	vor.u32 s0, v5;
	v30 =	vsub.f32 v35, v8;
	v19 =	vsub.f32 v36, v6;
	v34 =	vld [tilespmem:s30+$0xFFFFFFC0]  }
0x87: {  	s31 =	sadd.s32 $0x80, s31;
	v15 =	vor.u32 s1, v5;
	v25 =	vsub.f32 v37, v7;
	v35 =	vld [tilespmem:s28+$0xFFFFFFC0];
	v21 =	vsub.f32 v38, v8  }
0x88: {  	v36 =	vld [tilespmem:s30+$0xFFFFFFD0]  }
0x89: {  	v37 =	vld [tilespmem:s28+$0xFFFFFFD0];
	v22 =	vmul.f32 v22, v22;
	v23 =	vmul.f32 v23, v23  }
0x8a: {  	v31 =	vsub.f32 v31, v7;
	v38 =	vld [tilespmem:s28+$0xFFFFFFE0];
	v24 =	vmul.f32 v24, v24;
	v26 =	vmul.f32 v26, v26  }
0x8b: {  	v29 =	vmul.f32 v29, v29;
	v27 =	vmul.f32 v27, v27;
	v32 =	vsub.f32 v32, v8  }
0x8c: {  	v46 =	vld [tilespmem:s28+$0xFFFFFFF0];
	v28 =	vmul.f32 v28, v28;
	v44 =	vsub.f32 v34, v8;
	v45 =	vsub.f32 v35, v6  }
0x8d: {  	v30 =	vmul.f32 v30, v30;
	v7 =	vsub.f32 v33, v7;
	v8 =	vsub.f32 v36, v8  }
0x8e: {  	s25 =	sadd.s32 $0x80, s25;
	v33 =	vmul.f32 v44, v44;
	v47 =	vsub.f32 v37, v6;
	v34 =	vmul.f32 v45, v45  }
0x8f: {  	v48 =	vld [tilespmem:s25+$0xFFFFFFC0];
	v25 =	vmul.f32 v25, v25;
	v7 =	vmul.f32 v7, v7;
	v38 =	vsub.f32 v38, v6  }
0x90: {  	v8 =	vmul.f32 v8, v8;
	v49 =	vmul.f32 v47, v47;
	v33 =	vadd.f32 v34, v33  }
0x91: {  	v50 =	vld [tilespmem:s25+$0xFFFFFFD0];
	v31 =	vmul.f32 v31, v31;
	v32 =	vmul.f32 v32, v32;
	v6 =	vsub.f32 v46, v6  }
0x92: {  	v38 =	vmul.f32 v38, v38;
	v8 =	vadd.f32 v49, v8;
	v7 =	vadd.f32 v33, v7  }
0x93: {  	v51 =	vld [tilespmem:s25+$0xFFFFFFE0];
	v21 =	vmul.f32 v21, v21;
	v6 =	vmul.f32 v6, v6  }
0x94: {  	v32 =	vadd.f32 v38, v32;
	v8 =	vadd.f32 v8, v31;
	v7 =	vmin.f32 v48, v7  }
0x95: {  	v19 =	vmul.f32 v19, v19;
	v52 =	vld [tilespmem:s25+$0xFFFFFFF0];
	v6 =	vadd.f32 v6, v21;
	vm5 =	vgt.f32 v7, v14  }
0x96: {  	v25 =	vadd.f32 v32, v25;
	v8 =	vmin.f32 v50, v8;
	v14 =	vsel vm5, v7, v14  }
0x97: {  	v20 =	vmul.f32 v20, v20;
	v53 =	vld [tilespmem:s25+$0x0];
	v19 =	vadd.f32 v19, v30;
	vm6 =	vgt.f32 v8, v14  }
0x98: {  	v6 =	vadd.f32 v6, v28;
	v25 =	vmin.f32 v51, v25;
	v14 =	vsel vm6, v8, v14  }
0x99: {  	v18 =	vmul.f32 v18, v18;
	v54 =	vld [tilespmem:s25+$0x10];
	v20 =	vadd.f32 v20, v27;
	vm7 =	vgt.f32 v25, v14  }
0x9a: {  	v19 =	vadd.f32 v19, v29;
	v6 =	vmin.f32 v52, v6;
	v14 =	vsel vm7, v25, v14  }
0x9b: {  	v17 =	vmul.f32 v17, v17;
	v55 =	vld [tilespmem:s25+$0x20];
	v18 =	vadd.f32 v18, v26;
	vm8 =	vgt.f32 v6, v14  }
0x9c: {  	v20 =	vadd.f32 v20, v24;
	v19 =	vmin.f32 v53, v19;
	v14 =	vsel vm8, v6, v14  }
0x9d: {  	v16 =	vmul.f32 v16, v16;
	v56 =	vld [tilespmem:s25+$0x30];
	v17 =	vadd.f32 v17, v23;
	vm9 =	vgt.f32 v19, v14  }
0x9e: {  	v18 =	vadd.f32 v18, v22;
	v20 =	vmin.f32 v54, v20;
	v14 =	vsel vm9, v19, v14  }
0x9f: {  	vm10 =	vgt.f32 v20, v14  }
0xa0: {  	v16 =	vadd.f32 v17, v16;
	v57 =	vmin.f32 v55, v18;
	v14 =	vsel vm10, v20, v14  }
0xa1: {  	vm11 =	vgt.f32 v57, v14  }
0xa2: {  	v16 =	vmin.f32 v56, v16;
	v14 =	vsel vm11, v57, v14  }
0xa3: {  	vm12 =	vgt.f32 v16, v14  }
0xa4: {  	v14 =	vsel vm12, v16, v14  }
0xa5: {  	(xrf0) =	vmax.scan.msk.f32 $0xffff, v14  }
0xa6: {  	v10 =	vsel vm5, v12, v10  }
0xa7: {  	v10 =	vsel vm6, v15, v10  }
0xa8: {  	v10 =	vsel vm7, v13, v10  }
0xa9: {  	s0 =	sadd.s32 $0x50, s26;
	v10 =	vsel vm8, v11, v10  }
0xaa: {  	s28 =	sadd.s32 $0x60, s26;
	v9 =	vsel vm9, v9, v10;
	v10 =	vor.u32 s0, v5  }
0xab: {  	s1 =	sadd.s32 $0x70, s26;
	v9 =	vsel vm10, v10, v9;
	v10 =	vor.u32 s28, v5;
	v11, _, _ =	vpop (xrf0)  }
0xac: {  	v58 =	vor.u32 s1, v5;
	v9 =	vsel vm11, v10, v9;
	v10 =	vbroadcast v11, $0xF  }
0xad: {  	v9 =	vsel vm12, v58, v9  }
0xae: {  	v9 =	vxor.u32 $0x80000000, v9;
	vm5 =	veq.f32 v14, v10  }
0xaf: {  	v9 =	vnsel vm5, $0xC0000000, v9  }
0xb0: {  	(xrf0) =	vmin.scan.msk.u32 $0xffff, v9;
	_ =	sdelay $0x5  }
0xb1: {  	v9, _, _ =	vpop (xrf0)  }
0xb2: {  	(v2sf) =	vpush v9, $0xF;
	_ =	sdelay $0xd  }
0xb3: {  	[tilespmem:s25+$0x0] =	vst v19  }
0xb4: {  	[tilespmem:s25+$0x10] =	vst v20;
	s29 =	spop (v2sf)  }
0xb5: {  	[tilespmem:s25+$0x20] =	vst v57;
	s0 =	sxor.u32 $0x80000000, s29  }
0xb6: {  	[tilespmem:s25+$0xFFFFFFF0] =	vst v6;
	v6 =	vmov s0  }
0xb7: {  	[tilespmem:s25+$0x30] =	vst v16  }
0xb8: {  	[tilespmem:s25+$0xFFFFFFC0] =	vst v7  }
0xb9: {  	[tilespmem:s25+$0xFFFFFFD0] =	vst v8  }
0xba: {  	[tilespmem:s25+$0xFFFFFFE0] =	vst v25  }
0xbb: {  	v8 =	vld.idx.msk [tilespmem:v6+s15+$0x0], $0xffff  }
0xbc: {  	v7 =	vld.idx.msk [tilespmem:v6+s14+$0x0], $0xffff  }
0xbd: {  	v9 =	vld.idx.msk [tilespmem:v6+s3+$0x0], $0xffff;
	_ =	sdelay $0x1  }
0xbe: {  	s0 =	sadd.s32 s4, s0  }
0xbf: {  	v6 =	vsel vm1, s0, v8  }
0xc0: {  	s30 =	sshll.u32 s24, $0x8;
	v6 =	vsel vm2, v6, v7  }
0xc1: {  	s1 =	sand.u32 $0x100, s30;
	v6 =	vsel vm3, v6, v9  }
0xc2: {  	s1 =	sadd.s32 s1, s2;
	v6 =	vsel vm4, v10, v6  }
0xc3: {  	s31 =	sadd.s32 s19, s1;
	[tilespmem:$0x11000] =	vst v6  }
0xc4: {  	[spmem:s31] =	stream.linear.scatter [tilespmem:s20], [sflag:$0x1], $0x10, $0x38;
	[tilespmem:$0x111A0] =	vst v63  }
0xc5: {  	_ =	swait.ge [sflag:s13], $0x10  }
0xc6: {  	[sflag:s13] =	ssyncset.done $0x0  }
0xc7: {  	[sflag:s13] =	ssyncadd.s32 $0xFFFFFFF0  }
0xc8: {  	s1 =	sadd.s32 s9, s1;
	[bflag:$0x0] =	sbarrier.arrive $0xFFFF  }
0xc9: {  	[tilespmem:s21], [sflag:$0x1] =	stream.linear.gather [spmem:s1], $0x10, $0x38;
	[tilespmem:$0x111A0] =	vst v63  }
0xca: {  	_ =	swait.ge [sflag:s13], $0x10  }
0xcb: {  	[sflag:s13] =	ssyncset.done $0x0  }
0xcc: {  	[sflag:s13] =	ssyncadd.s32 $0xFFFFFFF0  }
0xcd: {  	v6 =	vld [tilespmem:$0x11080];
	_ =	sdelay $0x3  }
0xce: {  	s24 =	sadd.s32 $0x1, s24  }
0xcf: {  	v60 =	vmov s24;
	v11 =	vbroadcast v6, $0x0;
	v59 =	vbroadcast v6, $0x4  }
0xd0: {  	v62 =	vmul.u32 $0x3, v60;
	v61 =	vbroadcast v6, $0x2  }
0xd1: {  	v63 =	vbroadcast v6, $0x3;
	vm5 =	veq.s32 v11, v10;
	vm6 =	vlt.s32 v59, s0  }
0xd2: {  	p1 =	sne.s32 s24, $0x3FF;
	vm7 =	vgt.s32 v11, v10;
	v10 =	vadd.s32 v4, v62;
	vm5 =	vmand vm5, vm6  }
.Ltmp2:
0xd3: {  	v11 =	vbroadcast v6, $0x1;
	vm5 =	vmor vm7, vm5;
	(pc) =	sbr.rel @p1 .LBB2_4-.Ltmp2, $4  }
0xd4: {  	v7 =	vsel vm5, v61, v7;
	v6 =	vsel vm5, v63, v8  }
0xd5: {  	v12 =	vnsel vm5, s0, v59;
	v8 =	vsel vm5, v11, v9;
	v9 =	vsel vm3, v6, v7  }
0xd6: {  	[tilespmem:v60+s17+$0x0] =	vst.idx.msk $0x1, v12;
	v9 =	vsel vm4, v8, v9  }
0xd7: {  	[tilespmem:v10+s18+$0x0] =	vst.idx.msk $0x7, v9  }
0xd8: {  	s0 =	simm.s32 @!p0 $0x0;
	s1 =	simm.s32 @!p0 $0x10000  }
0xd9: {  	[hbm4b:s10+s0] =	stream.linear.scatter @!p0 [tilespmem:s1], [sflag:$0x1], $0x400, $0x38;
	[tilespmem:$0x111A0] =	vst v63  }
0xda: {  	s1 =	simm.s32 @!p0 $0x1  }
0xdb: {  	s22 =	sadd.s32 $0x1, s22;
	_ =	swait.ge @!p0 [sflag:s1], $0x400  }
0xdc: {  	p1 =	sne.s32 s22, s12;
	[sflag:s1] =	ssyncset.done @!p0 $0x0  }
.Ltmp3:
0xdd: {  	s23 =	simm.s32 @!p0 $0x10400;
	[sflag:s1] =	ssyncadd.s32 @!p0 $0xFFFFFC00;
	(pc) =	sbr.rel @p1 .LBB2_1-.Ltmp3, $4  }
0xde: {  	[hbm4b:s11+s0] =	stream.linear.scatter @!p0 [tilespmem:s23], [sflag:$0x1], $0xC00, $0x38;
	[tilespmem:$0x111A0] =	vst v63  }
0xdf: {  	_ =	swait.ge @!p0 [sflag:s1], $0xC00  }
0xe0: {  	[sflag:s1] =	ssyncset.done @!p0 $0x0  }
0xe1: {  	[sflag:s1] =	ssyncadd.s32 @!p0 $0xFFFFF400  }
0xe2: {  	_ =	sfence.sel $0x180000  }
0xe3: {  	[bflag:$0x0] =	sbarrier.arrive $0xFFFF  }
0xe4: {  	_ =	strace $0x90000047  }
0xe5: {  	s0 =	stileid.u32;
	[bflag:$0x2] =	sbarrier.arrive $0xFFFF  }
0xe6: {  	p0 =	sne.s32 s0, $0x0;
	s0 =	rddreg [dreg:$0x4]  }
0xe7: {  	s0 =	sadd.s32 @!p0 $0x100000, s0  }
0xe8: {  	[sflag:s0] =	ssyncadd.tile.s32 @!p0 $0x1;
	_ =	shalt  }
.Lfunc_end2:
_tile_overlayer_lowered:
.L_overlay_start_2:
0xe9: {  	(tag) =	ssettag $0x2  }
0xea: {  	s0 =	rddreg [dreg:$0x0];
	s2 =	stileid.u32  }
0xeb: {  	s1 =	rddreg [dreg:$0x1];
	p0 =	sne.s32 s2, $0x0  }
0xec: {  	s3 =	rddreg [dreg:$0x2];
	[bflag:$0x3] =	sbarrier.arrive $0xFFFF;
	s2 =	simm.s32 @!p0 $0x1C01  }
0xed: {  	[timem:s3], [sflag:s2] =	dma.local @!p0 [hbm:s0], s1  }
0xee: {  	s0 =	simm.s32 @!p0 $0x1  }
0xef: {  	_ =	swait.ge @!p0 [sflag:s0], s1  }
0xf0: {  	s1 =	ssub.s32 @!p0 $0x0, s1;
	[sflag:s0] =	ssyncset.done @!p0 $0x0  }
0xf1: {  	[sflag:s0] =	ssyncadd.s32 @!p0 s1  }
0xf2: {  	[bflag:$0x3] =	sbarrier.arrive $0xFFFF  }
0xf3: {  	_ =	shalt  }

</sc_bundles>
